<compile_context>
chip_gen: v7x
topology: tpu7x:2x2x1
jax: 0.10.2.dev20260603
libtpu: 0.0.44.dev20260713+nightly
codegen_flags: <defaults>
</compile_context>

<pallas_src>
import functools

import jax
import jax.numpy as jnp
from jax import lax
from jax.experimental import pallas as pl
from jax.experimental.pallas import tpu as pltpu
from jax.experimental.pallas import tpu_sc as plsc

B = 4096
S = 200
EMB = 64
VOCAB = 1000000
NC = 2
NS = 16
NW = NC * NS
ROWS_W = B // NW
NBUF = 4
NOUT = ROWS_W // NBUF

_mesh = plsc.VectorSubcoreMesh(core_axis_name="c", subcore_axis_name="s")


@functools.partial(
    pl.kernel,
    out_type=jax.ShapeDtypeStruct((B, S, 2 * EMB), jnp.float32),
    mesh=_mesh,
    scratch_types=(
        [pltpu.VMEM((S,), jnp.int32) for _ in range(NBUF)]
        + [pltpu.VMEM((S, EMB), jnp.float32) for _ in range(NBUF)]
        + [pltpu.SemaphoreType.DMA for _ in range(3 * NBUF)]
    ),
    compiler_params=pltpu.CompilerParams(use_tc_tiling_on_sc=False),
)
def _gather_kernel(idx_hbm, table_hbm, out_hbm, *refs):
    idx_v = refs[0:NBUF]
    rows_v = refs[NBUF:2 * NBUF]
    isem = refs[2 * NBUF:3 * NBUF]
    gsem = refs[3 * NBUF:4 * NBUF]
    ssem = refs[4 * NBUF:5 * NBUF]

    wid = lax.axis_index("s") * NC + lax.axis_index("c")
    r0 = wid * ROWS_W

    for b in range(NBUF):
        pltpu.async_copy(idx_hbm.at[r0 + b], idx_v[b], isem[b])
    for b in range(NBUF):
        pltpu.make_async_copy(idx_hbm.at[r0 + b], idx_v[b], isem[b]).wait()
        pltpu.async_copy(table_hbm.at[idx_v[b]], rows_v[b], gsem[b])

    def outer(t, carry):
        for b in range(NBUF):
            r = r0 + NBUF * t + b
            pltpu.make_async_copy(table_hbm.at[idx_v[b]], rows_v[b],
                                  gsem[b]).wait()
            pltpu.async_copy(rows_v[b], out_hbm.at[r, :, pl.ds(0, EMB)],
                             ssem[b])

            @pl.when(t < NOUT - 1)
            def _(b=b, r=r):
                pltpu.async_copy(idx_hbm.at[r + NBUF], idx_v[b], isem[b])

        @pl.when(t < NOUT - 1)
        def _():
            for b in range(NBUF):
                r = r0 + NBUF * t + b
                pltpu.make_async_copy(rows_v[b],
                                      out_hbm.at[r, :, pl.ds(0, EMB)],
                                      ssem[b]).wait()
                pltpu.make_async_copy(idx_hbm.at[r + NBUF], idx_v[b],
                                      isem[b]).wait()
                pltpu.async_copy(table_hbm.at[idx_v[b]], rows_v[b], gsem[b])

        return carry

    lax.fori_loop(0, NOUT, outer, 0)

    for b in range(NBUF):
        r = r0 + ROWS_W - NBUF + b
        pltpu.make_async_copy(rows_v[b], out_hbm.at[r, :, pl.ds(0, EMB)],
                              ssem[b]).wait()


def kernel(x, table):
    t2 = jnp.pad(table, ((0, 0), (0, EMB))).reshape(2 * VOCAB, EMB)
    x2 = x.astype(jnp.int32) * 2
    op = _gather_kernel(x2, t2)
    return lax.slice(op, (0, 0, 0), (B, S, EMB))

# --- scband reference (transcript-rebuilt; emitter-appended) ---
"""Pipeline reference for scband-input-embedding-2680059592975 (READ-ONLY COPY).

The authoritative reference and input builder live on the scoring server;
editing this copy changes nothing except your own understanding.
"""

import jax, jax.numpy as jnp
import numpy as np

VOCAB = 1000000
EMB = 64
B = 4096
S = 200

def setup_inputs(seed: int = 0) -> dict:
    key = jax.random.key(seed)
    k_idx, k_tab = jax.random.split(key)
    x = jax.random.randint(k_idx, (B, S), 0, VOCAB, dtype=jnp.int64 if jax.config.jax_enable_x64 else jnp.int32)
    # nn.Embedding default init: N(0, 1)
    table = jax.random.normal(k_tab, (VOCAB, EMB), dtype=jnp.float32)
    return {"x": x, "table": table}

def reference(x, table):
    assert x.ndim == 2, 'Input batch should have a shape of (B,N)'
    return jnp.take(table, x, axis=0)

if __name__ == "__main__":
    import jax
    _d = setup_inputs()
    print(jax.jit(kernel)(*tuple(_d.values())))

</pallas_src>

<mosaic_0001>
#map = affine_map<(d0, d1) -> (0, 0)>
#map1 = affine_map<(d0, d1) -> (0, 0, 0)>
module attributes {stable_mosaic.version = 14 : i64} {
  func.func @_gather_kernel(%arg0: i32, %arg1: i32, %arg2: memref<4096x200xi32, #tpu.memory_space<hbm>>, %arg3: memref<2000000x64xf32, #tpu.memory_space<hbm>>, %arg4: memref<4096x200x128xf32, #tpu.memory_space<hbm>>, %arg5: memref<200xi32, #tpu.memory_space<vmem>>, %arg6: memref<200xi32, #tpu.memory_space<vmem>>, %arg7: memref<200xi32, #tpu.memory_space<vmem>>, %arg8: memref<200xi32, #tpu.memory_space<vmem>>, %arg9: memref<200x64xf32, #tpu.memory_space<vmem>>, %arg10: memref<200x64xf32, #tpu.memory_space<vmem>>, %arg11: memref<200x64xf32, #tpu.memory_space<vmem>>, %arg12: memref<200x64xf32, #tpu.memory_space<vmem>>, %arg13: memref<!tpu.dma_semaphore, #tpu.memory_space<semaphore_mem>>, %arg14: memref<!tpu.dma_semaphore, #tpu.memory_space<semaphore_mem>>, %arg15: memref<!tpu.dma_semaphore, #tpu.memory_space<semaphore_mem>>, %arg16: memref<!tpu.dma_semaphore, #tpu.memory_space<semaphore_mem>>, %arg17: memref<!tpu.dma_semaphore, #tpu.memory_space<semaphore_mem>>, %arg18: memref<!tpu.dma_semaphore, #tpu.memory_space<semaphore_mem>>, %arg19: memref<!tpu.dma_semaphore, #tpu.memory_space<semaphore_mem>>, %arg20: memref<!tpu.dma_semaphore, #tpu.memory_space<semaphore_mem>>, %arg21: memref<!tpu.dma_semaphore, #tpu.memory_space<semaphore_mem>>, %arg22: memref<!tpu.dma_semaphore, #tpu.memory_space<semaphore_mem>>, %arg23: memref<!tpu.dma_semaphore, #tpu.memory_space<semaphore_mem>>, %arg24: memref<!tpu.dma_semaphore, #tpu.memory_space<semaphore_mem>>) attributes {dimension_semantics = [#tpu.dimension_semantics<core_parallel>, #tpu.dimension_semantics<subcore_parallel>], iteration_bounds = array<i64: 2, 16>, scalar_prefetch = 0 : i64, scratch_operands = 20 : i64, tpu.core_type = #tpu.core_type<sc_vector_subcore>, window_params = [{transform_indices = #map}, {transform_indices = #map}, {transform_indices = #map1}]} {
    %mul3A = arith.constant 2 : i32
    %mul3A_0 = arith.muli %arg1, %mul3A : i32
    %add3A = arith.addi %mul3A_0, %arg0 : i32
    %mul3A_1 = arith.constant 128 : i32
    %mul3A_2 = arith.muli %add3A, %mul3A_1 : i32
    %add3A_3 = arith.constant 0 : i32
    %add3A_4 = arith.addi %mul3A_2, %add3A_3 : i32
    %dma_start3A = arith.constant 0 : i32
    %dma_start3A_5 = tpu.memref_slice %arg2[%add3A_4, %dma_start3A] : memref<4096x200xi32, #tpu.memory_space<hbm>> -> memref<1x200xi32, #tpu.memory_space<hbm>>
    %dma_start3A_6 = tpu.memref_squeeze %dma_start3A_5 : memref<1x200xi32, #tpu.memory_space<hbm>> -> memref<200xi32, #tpu.memory_space<hbm>>
    %dma_start3A_7 = arith.constant 0 : i32
    %dma_start3A_8 = tpu.memref_slice %arg2[%add3A_4, %dma_start3A_7] : memref<4096x200xi32, #tpu.memory_space<hbm>> -> memref<1x200xi32, #tpu.memory_space<hbm>>
    %dma_start3A_9 = tpu.memref_squeeze %dma_start3A_8 : memref<1x200xi32, #tpu.memory_space<hbm>> -> memref<200xi32, #tpu.memory_space<hbm>>
    tpu.enqueue_dma source(%dma_start3A_9 : memref<200xi32, #tpu.memory_space<hbm>>) target(%arg5 : memref<200xi32, #tpu.memory_space<vmem>>) target_semaphore(%arg13 : memref<!tpu.dma_semaphore, #tpu.memory_space<semaphore_mem>>)
    %add3A_10 = arith.constant 1 : i32
    %add3A_11 = arith.addi %mul3A_2, %add3A_10 : i32
    %dma_start3A_12 = arith.constant 0 : i32
    %dma_start3A_13 = tpu.memref_slice %arg2[%add3A_11, %dma_start3A_12] : memref<4096x200xi32, #tpu.memory_space<hbm>> -> memref<1x200xi32, #tpu.memory_space<hbm>>
    %dma_start3A_14 = tpu.memref_squeeze %dma_start3A_13 : memref<1x200xi32, #tpu.memory_space<hbm>> -> memref<200xi32, #tpu.memory_space<hbm>>
    %dma_start3A_15 = arith.constant 0 : i32
    %dma_start3A_16 = tpu.memref_slice %arg2[%add3A_11, %dma_start3A_15] : memref<4096x200xi32, #tpu.memory_space<hbm>> -> memref<1x200xi32, #tpu.memory_space<hbm>>
    %dma_start3A_17 = tpu.memref_squeeze %dma_start3A_16 : memref<1x200xi32, #tpu.memory_space<hbm>> -> memref<200xi32, #tpu.memory_space<hbm>>
    tpu.enqueue_dma source(%dma_start3A_17 : memref<200xi32, #tpu.memory_space<hbm>>) target(%arg6 : memref<200xi32, #tpu.memory_space<vmem>>) target_semaphore(%arg14 : memref<!tpu.dma_semaphore, #tpu.memory_space<semaphore_mem>>)
    %add3A_18 = arith.constant 2 : i32
    %add3A_19 = arith.addi %mul3A_2, %add3A_18 : i32
    %dma_start3A_20 = arith.constant 0 : i32
    %dma_start3A_21 = tpu.memref_slice %arg2[%add3A_19, %dma_start3A_20] : memref<4096x200xi32, #tpu.memory_space<hbm>> -> memref<1x200xi32, #tpu.memory_space<hbm>>
    %dma_start3A_22 = tpu.memref_squeeze %dma_start3A_21 : memref<1x200xi32, #tpu.memory_space<hbm>> -> memref<200xi32, #tpu.memory_space<hbm>>
    %dma_start3A_23 = arith.constant 0 : i32
    %dma_start3A_24 = tpu.memref_slice %arg2[%add3A_19, %dma_start3A_23] : memref<4096x200xi32, #tpu.memory_space<hbm>> -> memref<1x200xi32, #tpu.memory_space<hbm>>
    %dma_start3A_25 = tpu.memref_squeeze %dma_start3A_24 : memref<1x200xi32, #tpu.memory_space<hbm>> -> memref<200xi32, #tpu.memory_space<hbm>>
    tpu.enqueue_dma source(%dma_start3A_25 : memref<200xi32, #tpu.memory_space<hbm>>) target(%arg7 : memref<200xi32, #tpu.memory_space<vmem>>) target_semaphore(%arg15 : memref<!tpu.dma_semaphore, #tpu.memory_space<semaphore_mem>>)
    %add3A_26 = arith.constant 3 : i32
    %add3A_27 = arith.addi %mul3A_2, %add3A_26 : i32
    %dma_start3A_28 = arith.constant 0 : i32
    %dma_start3A_29 = tpu.memref_slice %arg2[%add3A_27, %dma_start3A_28] : memref<4096x200xi32, #tpu.memory_space<hbm>> -> memref<1x200xi32, #tpu.memory_space<hbm>>
    %dma_start3A_30 = tpu.memref_squeeze %dma_start3A_29 : memref<1x200xi32, #tpu.memory_space<hbm>> -> memref<200xi32, #tpu.memory_space<hbm>>
    %dma_start3A_31 = arith.constant 0 : i32
    %dma_start3A_32 = tpu.memref_slice %arg2[%add3A_27, %dma_start3A_31] : memref<4096x200xi32, #tpu.memory_space<hbm>> -> memref<1x200xi32, #tpu.memory_space<hbm>>
    %dma_start3A_33 = tpu.memref_squeeze %dma_start3A_32 : memref<1x200xi32, #tpu.memory_space<hbm>> -> memref<200xi32, #tpu.memory_space<hbm>>
    tpu.enqueue_dma source(%dma_start3A_33 : memref<200xi32, #tpu.memory_space<hbm>>) target(%arg8 : memref<200xi32, #tpu.memory_space<vmem>>) target_semaphore(%arg16 : memref<!tpu.dma_semaphore, #tpu.memory_space<semaphore_mem>>)
    %add3A_34 = arith.constant 0 : i32
    %add3A_35 = arith.addi %mul3A_2, %add3A_34 : i32
    %dma_wait3A = arith.constant 0 : i32
    %dma_wait3A_36 = tpu.memref_slice %arg2[%add3A_35, %dma_wait3A] : memref<4096x200xi32, #tpu.memory_space<hbm>> -> memref<1x200xi32, #tpu.memory_space<hbm>>
    %dma_wait3A_37 = tpu.memref_squeeze %dma_wait3A_36 : memref<1x200xi32, #tpu.memory_space<hbm>> -> memref<200xi32, #tpu.memory_space<hbm>>
    %dma_wait3A_38 = arith.constant 0 : i32
    %dma_wait3A_39 = tpu.memref_slice %arg2[%add3A_35, %dma_wait3A_38] : memref<4096x200xi32, #tpu.memory_space<hbm>> -> memref<1x200xi32, #tpu.memory_space<hbm>>
    %dma_wait3A_40 = tpu.memref_squeeze %dma_wait3A_39 : memref<1x200xi32, #tpu.memory_space<hbm>> -> memref<200xi32, #tpu.memory_space<hbm>>
    tpu.wait_dma2 semaphore(%arg13 : memref<!tpu.dma_semaphore, #tpu.memory_space<semaphore_mem>>) src(%dma_wait3A_40 : memref<200xi32, #tpu.memory_space<hbm>>) dst(%arg5 : memref<200xi32, #tpu.memory_space<vmem>>)
    %dma_start3A_41 = arith.constant 0 : i32
    %dma_start3A_42 = arith.constant 0 : i32
    %dma_start3A_43 = tpu.memref_slice %arg3[%dma_start3A_41, %dma_start3A_42] : memref<2000000x64xf32, #tpu.memory_space<hbm>> -> memref<2000000x64xf32, #tpu.memory_space<hbm>>
    tpu.enqueue_indirect_dma source(%dma_start3A_43 : memref<2000000x64xf32, #tpu.memory_space<hbm>>) target(%arg9 : memref<200x64xf32, #tpu.memory_space<vmem>>) offsets(%arg5 : memref<200xi32, #tpu.memory_space<vmem>>) semaphore(%arg17 : memref<!tpu.dma_semaphore, #tpu.memory_space<semaphore_mem>>)
    %add3A_44 = arith.constant 1 : i32
    %add3A_45 = arith.addi %mul3A_2, %add3A_44 : i32
    %dma_wait3A_46 = arith.constant 0 : i32
    %dma_wait3A_47 = tpu.memref_slice %arg2[%add3A_45, %dma_wait3A_46] : memref<4096x200xi32, #tpu.memory_space<hbm>> -> memref<1x200xi32, #tpu.memory_space<hbm>>
    %dma_wait3A_48 = tpu.memref_squeeze %dma_wait3A_47 : memref<1x200xi32, #tpu.memory_space<hbm>> -> memref<200xi32, #tpu.memory_space<hbm>>
    %dma_wait3A_49 = arith.constant 0 : i32
    %dma_wait3A_50 = tpu.memref_slice %arg2[%add3A_45, %dma_wait3A_49] : memref<4096x200xi32, #tpu.memory_space<hbm>> -> memref<1x200xi32, #tpu.memory_space<hbm>>
    %dma_wait3A_51 = tpu.memref_squeeze %dma_wait3A_50 : memref<1x200xi32, #tpu.memory_space<hbm>> -> memref<200xi32, #tpu.memory_space<hbm>>
    tpu.wait_dma2 semaphore(%arg14 : memref<!tpu.dma_semaphore, #tpu.memory_space<semaphore_mem>>) src(%dma_wait3A_51 : memref<200xi32, #tpu.memory_space<hbm>>) dst(%arg6 : memref<200xi32, #tpu.memory_space<vmem>>)
    %dma_start3A_52 = arith.constant 0 : i32
    %dma_start3A_53 = arith.constant 0 : i32
    %dma_start3A_54 = tpu.memref_slice %arg3[%dma_start3A_52, %dma_start3A_53] : memref<2000000x64xf32, #tpu.memory_space<hbm>> -> memref<2000000x64xf32, #tpu.memory_space<hbm>>
    tpu.enqueue_indirect_dma source(%dma_start3A_54 : memref<2000000x64xf32, #tpu.memory_space<hbm>>) target(%arg10 : memref<200x64xf32, #tpu.memory_space<vmem>>) offsets(%arg6 : memref<200xi32, #tpu.memory_space<vmem>>) semaphore(%arg18 : memref<!tpu.dma_semaphore, #tpu.memory_space<semaphore_mem>>)
    %add3A_55 = arith.constant 2 : i32
    %add3A_56 = arith.addi %mul3A_2, %add3A_55 : i32
    %dma_wait3A_57 = arith.constant 0 : i32
    %dma_wait3A_58 = tpu.memref_slice %arg2[%add3A_56, %dma_wait3A_57] : memref<4096x200xi32, #tpu.memory_space<hbm>> -> memref<1x200xi32, #tpu.memory_space<hbm>>
    %dma_wait3A_59 = tpu.memref_squeeze %dma_wait3A_58 : memref<1x200xi32, #tpu.memory_space<hbm>> -> memref<200xi32, #tpu.memory_space<hbm>>
    %dma_wait3A_60 = arith.constant 0 : i32
    %dma_wait3A_61 = tpu.memref_slice %arg2[%add3A_56, %dma_wait3A_60] : memref<4096x200xi32, #tpu.memory_space<hbm>> -> memref<1x200xi32, #tpu.memory_space<hbm>>
    %dma_wait3A_62 = tpu.memref_squeeze %dma_wait3A_61 : memref<1x200xi32, #tpu.memory_space<hbm>> -> memref<200xi32, #tpu.memory_space<hbm>>
    tpu.wait_dma2 semaphore(%arg15 : memref<!tpu.dma_semaphore, #tpu.memory_space<semaphore_mem>>) src(%dma_wait3A_62 : memref<200xi32, #tpu.memory_space<hbm>>) dst(%arg7 : memref<200xi32, #tpu.memory_space<vmem>>)
    %dma_start3A_63 = arith.constant 0 : i32
    %dma_start3A_64 = arith.constant 0 : i32
    %dma_start3A_65 = tpu.memref_slice %arg3[%dma_start3A_63, %dma_start3A_64] : memref<2000000x64xf32, #tpu.memory_space<hbm>> -> memref<2000000x64xf32, #tpu.memory_space<hbm>>
    tpu.enqueue_indirect_dma source(%dma_start3A_65 : memref<2000000x64xf32, #tpu.memory_space<hbm>>) target(%arg11 : memref<200x64xf32, #tpu.memory_space<vmem>>) offsets(%arg7 : memref<200xi32, #tpu.memory_space<vmem>>) semaphore(%arg19 : memref<!tpu.dma_semaphore, #tpu.memory_space<semaphore_mem>>)
    %add3A_66 = arith.constant 3 : i32
    %add3A_67 = arith.addi %mul3A_2, %add3A_66 : i32
    %dma_wait3A_68 = arith.constant 0 : i32
    %dma_wait3A_69 = tpu.memref_slice %arg2[%add3A_67, %dma_wait3A_68] : memref<4096x200xi32, #tpu.memory_space<hbm>> -> memref<1x200xi32, #tpu.memory_space<hbm>>
    %dma_wait3A_70 = tpu.memref_squeeze %dma_wait3A_69 : memref<1x200xi32, #tpu.memory_space<hbm>> -> memref<200xi32, #tpu.memory_space<hbm>>
    %dma_wait3A_71 = arith.constant 0 : i32
    %dma_wait3A_72 = tpu.memref_slice %arg2[%add3A_67, %dma_wait3A_71] : memref<4096x200xi32, #tpu.memory_space<hbm>> -> memref<1x200xi32, #tpu.memory_space<hbm>>
    %dma_wait3A_73 = tpu.memref_squeeze %dma_wait3A_72 : memref<1x200xi32, #tpu.memory_space<hbm>> -> memref<200xi32, #tpu.memory_space<hbm>>
    tpu.wait_dma2 semaphore(%arg16 : memref<!tpu.dma_semaphore, #tpu.memory_space<semaphore_mem>>) src(%dma_wait3A_73 : memref<200xi32, #tpu.memory_space<hbm>>) dst(%arg8 : memref<200xi32, #tpu.memory_space<vmem>>)
    %dma_start3A_74 = arith.constant 0 : i32
    %dma_start3A_75 = arith.constant 0 : i32
    %dma_start3A_76 = tpu.memref_slice %arg3[%dma_start3A_74, %dma_start3A_75] : memref<2000000x64xf32, #tpu.memory_space<hbm>> -> memref<2000000x64xf32, #tpu.memory_space<hbm>>
    tpu.enqueue_indirect_dma source(%dma_start3A_76 : memref<2000000x64xf32, #tpu.memory_space<hbm>>) target(%arg12 : memref<200x64xf32, #tpu.memory_space<vmem>>) offsets(%arg8 : memref<200xi32, #tpu.memory_space<vmem>>) semaphore(%arg20 : memref<!tpu.dma_semaphore, #tpu.memory_space<semaphore_mem>>)
    %scan3A = arith.constant 0 : i32
    %scan3A_77 = arith.constant 0 : i32
    %scan3A_78 = arith.constant 32 : i32
    %scan3A_79 = arith.addi %scan3A_77, %scan3A_78 : i32
    %scan3A_80 = arith.constant 1 : i32
    scf.for %scan3A_137 = %scan3A_77 to %scan3A_79 step %scan3A_80  : i32 {
      %mul3A_138 = arith.constant 4 : i32
      %mul3A_139 = arith.muli %mul3A_138, %scan3A_137 : i32
      %add3A_140 = arith.addi %mul3A_2, %mul3A_139 : i32
      %add3A_141 = arith.constant 0 : i32
      %add3A_142 = arith.addi %add3A_140, %add3A_141 : i32
      %dma_wait3A_143 = arith.constant 0 : i32
      %dma_wait3A_144 = arith.constant 0 : i32
      %dma_wait3A_145 = tpu.memref_slice %arg3[%dma_wait3A_143, %dma_wait3A_144] : memref<2000000x64xf32, #tpu.memory_space<hbm>> -> memref<2000000x64xf32, #tpu.memory_space<hbm>>
      tpu.wait_indirect_dma semaphore(%arg17 : memref<!tpu.dma_semaphore, #tpu.memory_space<semaphore_mem>>) src(%dma_wait3A_145 : memref<2000000x64xf32, #tpu.memory_space<hbm>>) dst(%arg9 : memref<200x64xf32, #tpu.memory_space<vmem>>)
      %dma_start3A_146 = arith.constant 0 : i32
      %dma_start3A_147 = arith.constant 0 : i32
      %dma_start3A_148 = tpu.memref_slice %arg4[%add3A_142, %dma_start3A_146, %dma_start3A_147] : memref<4096x200x128xf32, #tpu.memory_space<hbm>> -> memref<1x200x64xf32, #tpu.memory_space<hbm>>
      %dma_start3A_149 = tpu.memref_squeeze %dma_start3A_148 : memref<1x200x64xf32, #tpu.memory_space<hbm>> -> memref<200x64xf32, #tpu.memory_space<hbm>>
      %dma_start3A_150 = arith.constant 0 : i32
      %dma_start3A_151 = arith.constant 0 : i32
      %dma_start3A_152 = tpu.memref_slice %arg4[%add3A_142, %dma_start3A_150, %dma_start3A_151] : memref<4096x200x128xf32, #tpu.memory_space<hbm>> -> memref<1x200x64xf32, #tpu.memory_space<hbm>>
      %dma_start3A_153 = tpu.memref_squeeze %dma_start3A_152 : memref<1x200x64xf32, #tpu.memory_space<hbm>> -> memref<200x64xf32, #tpu.memory_space<hbm>>
      tpu.enqueue_dma source(%arg9 : memref<200x64xf32, #tpu.memory_space<vmem>>) target(%dma_start3A_153 : memref<200x64xf32, #tpu.memory_space<hbm>>) target_semaphore(%arg21 : memref<!tpu.dma_semaphore, #tpu.memory_space<semaphore_mem>>)
      %lt3A = arith.constant 31 : i32
      %lt3A_154 = arith.cmpi slt, %scan3A_137, %lt3A : i32
      %convert_element_type3A = arith.extui %lt3A_154 : i1 to i32
      %cond3A = arith.constant 0 : i32
      %cond3A_155 = arith.cmpi ne, %convert_element_type3A, %cond3A : i32
      scf.if %cond3A_155 {
        %add3A_224 = arith.constant 4 : i32
        %add3A_225 = arith.addi %add3A_142, %add3A_224 : i32
        %dma_start3A_226 = arith.constant 0 : i32
        %dma_start3A_227 = tpu.memref_slice %arg2[%add3A_225, %dma_start3A_226] : memref<4096x200xi32, #tpu.memory_space<hbm>> -> memref<1x200xi32, #tpu.memory_space<hbm>>
        %dma_start3A_228 = tpu.memref_squeeze %dma_start3A_227 : memref<1x200xi32, #tpu.memory_space<hbm>> -> memref<200xi32, #tpu.memory_space<hbm>>
        %dma_start3A_229 = arith.constant 0 : i32
        %dma_start3A_230 = tpu.memref_slice %arg2[%add3A_225, %dma_start3A_229] : memref<4096x200xi32, #tpu.memory_space<hbm>> -> memref<1x200xi32, #tpu.memory_space<hbm>>
        %dma_start3A_231 = tpu.memref_squeeze %dma_start3A_230 : memref<1x200xi32, #tpu.memory_space<hbm>> -> memref<200xi32, #tpu.memory_space<hbm>>
        tpu.enqueue_dma source(%dma_start3A_231 : memref<200xi32, #tpu.memory_space<hbm>>) target(%arg5 : memref<200xi32, #tpu.memory_space<vmem>>) target_semaphore(%arg13 : memref<!tpu.dma_semaphore, #tpu.memory_space<semaphore_mem>>)
      } else {
      }
      %mul3A_156 = arith.constant 4 : i32
      %mul3A_157 = arith.muli %mul3A_156, %scan3A_137 : i32
      %add3A_158 = arith.addi %mul3A_2, %mul3A_157 : i32
      %add3A_159 = arith.constant 1 : i32
      %add3A_160 = arith.addi %add3A_158, %add3A_159 : i32
      %dma_wait3A_161 = arith.constant 0 : i32
      %dma_wait3A_162 = arith.constant 0 : i32
      %dma_wait3A_163 = tpu.memref_slice %arg3[%dma_wait3A_161, %dma_wait3A_162] : memref<2000000x64xf32, #tpu.memory_space<hbm>> -> memref<2000000x64xf32, #tpu.memory_space<hbm>>
      tpu.wait_indirect_dma semaphore(%arg18 : memref<!tpu.dma_semaphore, #tpu.memory_space<semaphore_mem>>) src(%dma_wait3A_163 : memref<2000000x64xf32, #tpu.memory_space<hbm>>) dst(%arg10 : memref<200x64xf32, #tpu.memory_space<vmem>>)
      %dma_start3A_164 = arith.constant 0 : i32
      %dma_start3A_165 = arith.constant 0 : i32
      %dma_start3A_166 = tpu.memref_slice %arg4[%add3A_160, %dma_start3A_164, %dma_start3A_165] : memref<4096x200x128xf32, #tpu.memory_space<hbm>> -> memref<1x200x64xf32, #tpu.memory_space<hbm>>
      %dma_start3A_167 = tpu.memref_squeeze %dma_start3A_166 : memref<1x200x64xf32, #tpu.memory_space<hbm>> -> memref<200x64xf32, #tpu.memory_space<hbm>>
      %dma_start3A_168 = arith.constant 0 : i32
      %dma_start3A_169 = arith.constant 0 : i32
      %dma_start3A_170 = tpu.memref_slice %arg4[%add3A_160, %dma_start3A_168, %dma_start3A_169] : memref<4096x200x128xf32, #tpu.memory_space<hbm>> -> memref<1x200x64xf32, #tpu.memory_space<hbm>>
      %dma_start3A_171 = tpu.memref_squeeze %dma_start3A_170 : memref<1x200x64xf32, #tpu.memory_space<hbm>> -> memref<200x64xf32, #tpu.memory_space<hbm>>
      tpu.enqueue_dma source(%arg10 : memref<200x64xf32, #tpu.memory_space<vmem>>) target(%dma_start3A_171 : memref<200x64xf32, #tpu.memory_space<hbm>>) target_semaphore(%arg22 : memref<!tpu.dma_semaphore, #tpu.memory_space<semaphore_mem>>)
      %lt3A_172 = arith.constant 31 : i32
      %lt3A_173 = arith.cmpi slt, %scan3A_137, %lt3A_172 : i32
      %convert_element_type3A_174 = arith.extui %lt3A_173 : i1 to i32
      %cond3A_175 = arith.constant 0 : i32
      %cond3A_176 = arith.cmpi ne, %convert_element_type3A_174, %cond3A_175 : i32
      scf.if %cond3A_176 {
        %add3A_224 = arith.constant 4 : i32
        %add3A_225 = arith.addi %add3A_160, %add3A_224 : i32
        %dma_start3A_226 = arith.constant 0 : i32
        %dma_start3A_227 = tpu.memref_slice %arg2[%add3A_225, %dma_start3A_226] : memref<4096x200xi32, #tpu.memory_space<hbm>> -> memref<1x200xi32, #tpu.memory_space<hbm>>
        %dma_start3A_228 = tpu.memref_squeeze %dma_start3A_227 : memref<1x200xi32, #tpu.memory_space<hbm>> -> memref<200xi32, #tpu.memory_space<hbm>>
        %dma_start3A_229 = arith.constant 0 : i32
        %dma_start3A_230 = tpu.memref_slice %arg2[%add3A_225, %dma_start3A_229] : memref<4096x200xi32, #tpu.memory_space<hbm>> -> memref<1x200xi32, #tpu.memory_space<hbm>>
        %dma_start3A_231 = tpu.memref_squeeze %dma_start3A_230 : memref<1x200xi32, #tpu.memory_space<hbm>> -> memref<200xi32, #tpu.memory_space<hbm>>
        tpu.enqueue_dma source(%dma_start3A_231 : memref<200xi32, #tpu.memory_space<hbm>>) target(%arg6 : memref<200xi32, #tpu.memory_space<vmem>>) target_semaphore(%arg14 : memref<!tpu.dma_semaphore, #tpu.memory_space<semaphore_mem>>)
      } else {
      }
      %mul3A_177 = arith.constant 4 : i32
      %mul3A_178 = arith.muli %mul3A_177, %scan3A_137 : i32
      %add3A_179 = arith.addi %mul3A_2, %mul3A_178 : i32
      %add3A_180 = arith.constant 2 : i32
      %add3A_181 = arith.addi %add3A_179, %add3A_180 : i32
      %dma_wait3A_182 = arith.constant 0 : i32
      %dma_wait3A_183 = arith.constant 0 : i32
      %dma_wait3A_184 = tpu.memref_slice %arg3[%dma_wait3A_182, %dma_wait3A_183] : memref<2000000x64xf32, #tpu.memory_space<hbm>> -> memref<2000000x64xf32, #tpu.memory_space<hbm>>
      tpu.wait_indirect_dma semaphore(%arg19 : memref<!tpu.dma_semaphore, #tpu.memory_space<semaphore_mem>>) src(%dma_wait3A_184 : memref<2000000x64xf32, #tpu.memory_space<hbm>>) dst(%arg11 : memref<200x64xf32, #tpu.memory_space<vmem>>)
      %dma_start3A_185 = arith.constant 0 : i32
      %dma_start3A_186 = arith.constant 0 : i32
      %dma_start3A_187 = tpu.memref_slice %arg4[%add3A_181, %dma_start3A_185, %dma_start3A_186] : memref<4096x200x128xf32, #tpu.memory_space<hbm>> -> memref<1x200x64xf32, #tpu.memory_space<hbm>>
      %dma_start3A_188 = tpu.memref_squeeze %dma_start3A_187 : memref<1x200x64xf32, #tpu.memory_space<hbm>> -> memref<200x64xf32, #tpu.memory_space<hbm>>
      %dma_start3A_189 = arith.constant 0 : i32
      %dma_start3A_190 = arith.constant 0 : i32
      %dma_start3A_191 = tpu.memref_slice %arg4[%add3A_181, %dma_start3A_189, %dma_start3A_190] : memref<4096x200x128xf32, #tpu.memory_space<hbm>> -> memref<1x200x64xf32, #tpu.memory_space<hbm>>
      %dma_start3A_192 = tpu.memref_squeeze %dma_start3A_191 : memref<1x200x64xf32, #tpu.memory_space<hbm>> -> memref<200x64xf32, #tpu.memory_space<hbm>>
      tpu.enqueue_dma source(%arg11 : memref<200x64xf32, #tpu.memory_space<vmem>>) target(%dma_start3A_192 : memref<200x64xf32, #tpu.memory_space<hbm>>) target_semaphore(%arg23 : memref<!tpu.dma_semaphore, #tpu.memory_space<semaphore_mem>>)
      %lt3A_193 = arith.constant 31 : i32
      %lt3A_194 = arith.cmpi slt, %scan3A_137, %lt3A_193 : i32
      %convert_element_type3A_195 = arith.extui %lt3A_194 : i1 to i32
      %cond3A_196 = arith.constant 0 : i32
      %cond3A_197 = arith.cmpi ne, %convert_element_type3A_195, %cond3A_196 : i32
      scf.if %cond3A_197 {
        %add3A_224 = arith.constant 4 : i32
        %add3A_225 = arith.addi %add3A_181, %add3A_224 : i32
        %dma_start3A_226 = arith.constant 0 : i32
        %dma_start3A_227 = tpu.memref_slice %arg2[%add3A_225, %dma_start3A_226] : memref<4096x200xi32, #tpu.memory_space<hbm>> -> memref<1x200xi32, #tpu.memory_space<hbm>>
        %dma_start3A_228 = tpu.memref_squeeze %dma_start3A_227 : memref<1x200xi32, #tpu.memory_space<hbm>> -> memref<200xi32, #tpu.memory_space<hbm>>
        %dma_start3A_229 = arith.constant 0 : i32
        %dma_start3A_230 = tpu.memref_slice %arg2[%add3A_225, %dma_start3A_229] : memref<4096x200xi32, #tpu.memory_space<hbm>> -> memref<1x200xi32, #tpu.memory_space<hbm>>
        %dma_start3A_231 = tpu.memref_squeeze %dma_start3A_230 : memref<1x200xi32, #tpu.memory_space<hbm>> -> memref<200xi32, #tpu.memory_space<hbm>>
        tpu.enqueue_dma source(%dma_start3A_231 : memref<200xi32, #tpu.memory_space<hbm>>) target(%arg7 : memref<200xi32, #tpu.memory_space<vmem>>) target_semaphore(%arg15 : memref<!tpu.dma_semaphore, #tpu.memory_space<semaphore_mem>>)
      } else {
      }
      %mul3A_198 = arith.constant 4 : i32
      %mul3A_199 = arith.muli %mul3A_198, %scan3A_137 : i32
      %add3A_200 = arith.addi %mul3A_2, %mul3A_199 : i32
      %add3A_201 = arith.constant 3 : i32
      %add3A_202 = arith.addi %add3A_200, %add3A_201 : i32
      %dma_wait3A_203 = arith.constant 0 : i32
      %dma_wait3A_204 = arith.constant 0 : i32
      %dma_wait3A_205 = tpu.memref_slice %arg3[%dma_wait3A_203, %dma_wait3A_204] : memref<2000000x64xf32, #tpu.memory_space<hbm>> -> memref<2000000x64xf32, #tpu.memory_space<hbm>>
      tpu.wait_indirect_dma semaphore(%arg20 : memref<!tpu.dma_semaphore, #tpu.memory_space<semaphore_mem>>) src(%dma_wait3A_205 : memref<2000000x64xf32, #tpu.memory_space<hbm>>) dst(%arg12 : memref<200x64xf32, #tpu.memory_space<vmem>>)
      %dma_start3A_206 = arith.constant 0 : i32
      %dma_start3A_207 = arith.constant 0 : i32
      %dma_start3A_208 = tpu.memref_slice %arg4[%add3A_202, %dma_start3A_206, %dma_start3A_207] : memref<4096x200x128xf32, #tpu.memory_space<hbm>> -> memref<1x200x64xf32, #tpu.memory_space<hbm>>
      %dma_start3A_209 = tpu.memref_squeeze %dma_start3A_208 : memref<1x200x64xf32, #tpu.memory_space<hbm>> -> memref<200x64xf32, #tpu.memory_space<hbm>>
      %dma_start3A_210 = arith.constant 0 : i32
      %dma_start3A_211 = arith.constant 0 : i32
      %dma_start3A_212 = tpu.memref_slice %arg4[%add3A_202, %dma_start3A_210, %dma_start3A_211] : memref<4096x200x128xf32, #tpu.memory_space<hbm>> -> memref<1x200x64xf32, #tpu.memory_space<hbm>>
      %dma_start3A_213 = tpu.memref_squeeze %dma_start3A_212 : memref<1x200x64xf32, #tpu.memory_space<hbm>> -> memref<200x64xf32, #tpu.memory_space<hbm>>
      tpu.enqueue_dma source(%arg12 : memref<200x64xf32, #tpu.memory_space<vmem>>) target(%dma_start3A_213 : memref<200x64xf32, #tpu.memory_space<hbm>>) target_semaphore(%arg24 : memref<!tpu.dma_semaphore, #tpu.memory_space<semaphore_mem>>)
      %lt3A_214 = arith.constant 31 : i32
      %lt3A_215 = arith.cmpi slt, %scan3A_137, %lt3A_214 : i32
      %convert_element_type3A_216 = arith.extui %lt3A_215 : i1 to i32
      %cond3A_217 = arith.constant 0 : i32
      %cond3A_218 = arith.cmpi ne, %convert_element_type3A_216, %cond3A_217 : i32
      scf.if %cond3A_218 {
        %add3A_224 = arith.constant 4 : i32
        %add3A_225 = arith.addi %add3A_202, %add3A_224 : i32
        %dma_start3A_226 = arith.constant 0 : i32
        %dma_start3A_227 = tpu.memref_slice %arg2[%add3A_225, %dma_start3A_226] : memref<4096x200xi32, #tpu.memory_space<hbm>> -> memref<1x200xi32, #tpu.memory_space<hbm>>
        %dma_start3A_228 = tpu.memref_squeeze %dma_start3A_227 : memref<1x200xi32, #tpu.memory_space<hbm>> -> memref<200xi32, #tpu.memory_space<hbm>>
        %dma_start3A_229 = arith.constant 0 : i32
        %dma_start3A_230 = tpu.memref_slice %arg2[%add3A_225, %dma_start3A_229] : memref<4096x200xi32, #tpu.memory_space<hbm>> -> memref<1x200xi32, #tpu.memory_space<hbm>>
        %dma_start3A_231 = tpu.memref_squeeze %dma_start3A_230 : memref<1x200xi32, #tpu.memory_space<hbm>> -> memref<200xi32, #tpu.memory_space<hbm>>
        tpu.enqueue_dma source(%dma_start3A_231 : memref<200xi32, #tpu.memory_space<hbm>>) target(%arg8 : memref<200xi32, #tpu.memory_space<vmem>>) target_semaphore(%arg16 : memref<!tpu.dma_semaphore, #tpu.memory_space<semaphore_mem>>)
      } else {
      }
      %lt3A_219 = arith.constant 31 : i32
      %lt3A_220 = arith.cmpi slt, %scan3A_137, %lt3A_219 : i32
      %convert_element_type3A_221 = arith.extui %lt3A_220 : i1 to i32
      %cond3A_222 = arith.constant 0 : i32
      %cond3A_223 = arith.cmpi ne, %convert_element_type3A_221, %cond3A_222 : i32
      scf.if %cond3A_223 {
        %mul3A_224 = arith.constant 4 : i32
        %mul3A_225 = arith.muli %mul3A_224, %scan3A_137 : i32
        %add3A_226 = arith.addi %mul3A_2, %mul3A_225 : i32
        %add3A_227 = arith.constant 0 : i32
        %add3A_228 = arith.addi %add3A_226, %add3A_227 : i32
        %dma_wait3A_229 = arith.constant 0 : i32
        %dma_wait3A_230 = arith.constant 0 : i32
        %dma_wait3A_231 = tpu.memref_slice %arg4[%add3A_228, %dma_wait3A_229, %dma_wait3A_230] : memref<4096x200x128xf32, #tpu.memory_space<hbm>> -> memref<1x200x64xf32, #tpu.memory_space<hbm>>
        %dma_wait3A_232 = tpu.memref_squeeze %dma_wait3A_231 : memref<1x200x64xf32, #tpu.memory_space<hbm>> -> memref<200x64xf32, #tpu.memory_space<hbm>>
        %dma_wait3A_233 = arith.constant 0 : i32
        %dma_wait3A_234 = arith.constant 0 : i32
        %dma_wait3A_235 = tpu.memref_slice %arg4[%add3A_228, %dma_wait3A_233, %dma_wait3A_234] : memref<4096x200x128xf32, #tpu.memory_space<hbm>> -> memref<1x200x64xf32, #tpu.memory_space<hbm>>
        %dma_wait3A_236 = tpu.memref_squeeze %dma_wait3A_235 : memref<1x200x64xf32, #tpu.memory_space<hbm>> -> memref<200x64xf32, #tpu.memory_space<hbm>>
        tpu.wait_dma2 semaphore(%arg21 : memref<!tpu.dma_semaphore, #tpu.memory_space<semaphore_mem>>) src(%arg9 : memref<200x64xf32, #tpu.memory_space<vmem>>) dst(%dma_wait3A_236 : memref<200x64xf32, #tpu.memory_space<hbm>>)
        %add3A_237 = arith.constant 4 : i32
        %add3A_238 = arith.addi %add3A_228, %add3A_237 : i32
        %dma_wait3A_239 = arith.constant 0 : i32
        %dma_wait3A_240 = tpu.memref_slice %arg2[%add3A_238, %dma_wait3A_239] : memref<4096x200xi32, #tpu.memory_space<hbm>> -> memref<1x200xi32, #tpu.memory_space<hbm>>
        %dma_wait3A_241 = tpu.memref_squeeze %dma_wait3A_240 : memref<1x200xi32, #tpu.memory_space<hbm>> -> memref<200xi32, #tpu.memory_space<hbm>>
        %dma_wait3A_242 = arith.constant 0 : i32
        %dma_wait3A_243 = tpu.memref_slice %arg2[%add3A_238, %dma_wait3A_242] : memref<4096x200xi32, #tpu.memory_space<hbm>> -> memref<1x200xi32, #tpu.memory_space<hbm>>
        %dma_wait3A_244 = tpu.memref_squeeze %dma_wait3A_243 : memref<1x200xi32, #tpu.memory_space<hbm>> -> memref<200xi32, #tpu.memory_space<hbm>>
        tpu.wait_dma2 semaphore(%arg13 : memref<!tpu.dma_semaphore, #tpu.memory_space<semaphore_mem>>) src(%dma_wait3A_244 : memref<200xi32, #tpu.memory_space<hbm>>) dst(%arg5 : memref<200xi32, #tpu.memory_space<vmem>>)
        %dma_start3A_245 = arith.constant 0 : i32
        %dma_start3A_246 = arith.constant 0 : i32
        %dma_start3A_247 = tpu.memref_slice %arg3[%dma_start3A_245, %dma_start3A_246] : memref<2000000x64xf32, #tpu.memory_space<hbm>> -> memref<2000000x64xf32, #tpu.memory_space<hbm>>
        tpu.enqueue_indirect_dma source(%dma_start3A_247 : memref<2000000x64xf32, #tpu.memory_space<hbm>>) target(%arg9 : memref<200x64xf32, #tpu.memory_space<vmem>>) offsets(%arg5 : memref<200xi32, #tpu.memory_space<vmem>>) semaphore(%arg17 : memref<!tpu.dma_semaphore, #tpu.memory_space<semaphore_mem>>)
        %mul3A_248 = arith.constant 4 : i32
        %mul3A_249 = arith.muli %mul3A_248, %scan3A_137 : i32
        %add3A_250 = arith.addi %mul3A_2, %mul3A_249 : i32
        %add3A_251 = arith.constant 1 : i32
        %add3A_252 = arith.addi %add3A_250, %add3A_251 : i32
        %dma_wait3A_253 = arith.constant 0 : i32
        %dma_wait3A_254 = arith.constant 0 : i32
        %dma_wait3A_255 = tpu.memref_slice %arg4[%add3A_252, %dma_wait3A_253, %dma_wait3A_254] : memref<4096x200x128xf32, #tpu.memory_space<hbm>> -> memref<1x200x64xf32, #tpu.memory_space<hbm>>
        %dma_wait3A_256 = tpu.memref_squeeze %dma_wait3A_255 : memref<1x200x64xf32, #tpu.memory_space<hbm>> -> memref<200x64xf32, #tpu.memory_space<hbm>>
        %dma_wait3A_257 = arith.constant 0 : i32
        %dma_wait3A_258 = arith.constant 0 : i32
        %dma_wait3A_259 = tpu.memref_slice %arg4[%add3A_252, %dma_wait3A_257, %dma_wait3A_258] : memref<4096x200x128xf32, #tpu.memory_space<hbm>> -> memref<1x200x64xf32, #tpu.memory_space<hbm>>
        %dma_wait3A_260 = tpu.memref_squeeze %dma_wait3A_259 : memref<1x200x64xf32, #tpu.memory_space<hbm>> -> memref<200x64xf32, #tpu.memory_space<hbm>>
        tpu.wait_dma2 semaphore(%arg22 : memref<!tpu.dma_semaphore, #tpu.memory_space<semaphore_mem>>) src(%arg10 : memref<200x64xf32, #tpu.memory_space<vmem>>) dst(%dma_wait3A_260 : memref<200x64xf32, #tpu.memory_space<hbm>>)
        %add3A_261 = arith.constant 4 : i32
        %add3A_262 = arith.addi %add3A_252, %add3A_261 : i32
        %dma_wait3A_263 = arith.constant 0 : i32
        %dma_wait3A_264 = tpu.memref_slice %arg2[%add3A_262, %dma_wait3A_263] : memref<4096x200xi32, #tpu.memory_space<hbm>> -> memref<1x200xi32, #tpu.memory_space<hbm>>
        %dma_wait3A_265 = tpu.memref_squeeze %dma_wait3A_264 : memref<1x200xi32, #tpu.memory_space<hbm>> -> memref<200xi32, #tpu.memory_space<hbm>>
        %dma_wait3A_266 = arith.constant 0 : i32
        %dma_wait3A_267 = tpu.memref_slice %arg2[%add3A_262, %dma_wait3A_266] : memref<4096x200xi32, #tpu.memory_space<hbm>> -> memref<1x200xi32, #tpu.memory_space<hbm>>
        %dma_wait3A_268 = tpu.memref_squeeze %dma_wait3A_267 : memref<1x200xi32, #tpu.memory_space<hbm>> -> memref<200xi32, #tpu.memory_space<hbm>>
        tpu.wait_dma2 semaphore(%arg14 : memref<!tpu.dma_semaphore, #tpu.memory_space<semaphore_mem>>) src(%dma_wait3A_268 : memref<200xi32, #tpu.memory_space<hbm>>) dst(%arg6 : memref<200xi32, #tpu.memory_space<vmem>>)
        %dma_start3A_269 = arith.constant 0 : i32
        %dma_start3A_270 = arith.constant 0 : i32
        %dma_start3A_271 = tpu.memref_slice %arg3[%dma_start3A_269, %dma_start3A_270] : memref<2000000x64xf32, #tpu.memory_space<hbm>> -> memref<2000000x64xf32, #tpu.memory_space<hbm>>
        tpu.enqueue_indirect_dma source(%dma_start3A_271 : memref<2000000x64xf32, #tpu.memory_space<hbm>>) target(%arg10 : memref<200x64xf32, #tpu.memory_space<vmem>>) offsets(%arg6 : memref<200xi32, #tpu.memory_space<vmem>>) semaphore(%arg18 : memref<!tpu.dma_semaphore, #tpu.memory_space<semaphore_mem>>)
        %mul3A_272 = arith.constant 4 : i32
        %mul3A_273 = arith.muli %mul3A_272, %scan3A_137 : i32
        %add3A_274 = arith.addi %mul3A_2, %mul3A_273 : i32
        %add3A_275 = arith.constant 2 : i32
        %add3A_276 = arith.addi %add3A_274, %add3A_275 : i32
        %dma_wait3A_277 = arith.constant 0 : i32
        %dma_wait3A_278 = arith.constant 0 : i32
        %dma_wait3A_279 = tpu.memref_slice %arg4[%add3A_276, %dma_wait3A_277, %dma_wait3A_278] : memref<4096x200x128xf32, #tpu.memory_space<hbm>> -> memref<1x200x64xf32, #tpu.memory_space<hbm>>
        %dma_wait3A_280 = tpu.memref_squeeze %dma_wait3A_279 : memref<1x200x64xf32, #tpu.memory_space<hbm>> -> memref<200x64xf32, #tpu.memory_space<hbm>>
        %dma_wait3A_281 = arith.constant 0 : i32
        %dma_wait3A_282 = arith.constant 0 : i32
        %dma_wait3A_283 = tpu.memref_slice %arg4[%add3A_276, %dma_wait3A_281, %dma_wait3A_282] : memref<4096x200x128xf32, #tpu.memory_space<hbm>> -> memref<1x200x64xf32, #tpu.memory_space<hbm>>
        %dma_wait3A_284 = tpu.memref_squeeze %dma_wait3A_283 : memref<1x200x64xf32, #tpu.memory_space<hbm>> -> memref<200x64xf32, #tpu.memory_space<hbm>>
        tpu.wait_dma2 semaphore(%arg23 : memref<!tpu.dma_semaphore, #tpu.memory_space<semaphore_mem>>) src(%arg11 : memref<200x64xf32, #tpu.memory_space<vmem>>) dst(%dma_wait3A_284 : memref<200x64xf32, #tpu.memory_space<hbm>>)
        %add3A_285 = arith.constant 4 : i32
        %add3A_286 = arith.addi %add3A_276, %add3A_285 : i32
        %dma_wait3A_287 = arith.constant 0 : i32
        %dma_wait3A_288 = tpu.memref_slice %arg2[%add3A_286, %dma_wait3A_287] : memref<4096x200xi32, #tpu.memory_space<hbm>> -> memref<1x200xi32, #tpu.memory_space<hbm>>
        %dma_wait3A_289 = tpu.memref_squeeze %dma_wait3A_288 : memref<1x200xi32, #tpu.memory_space<hbm>> -> memref<200xi32, #tpu.memory_space<hbm>>
        %dma_wait3A_290 = arith.constant 0 : i32
        %dma_wait3A_291 = tpu.memref_slice %arg2[%add3A_286, %dma_wait3A_290] : memref<4096x200xi32, #tpu.memory_space<hbm>> -> memref<1x200xi32, #tpu.memory_space<hbm>>
        %dma_wait3A_292 = tpu.memref_squeeze %dma_wait3A_291 : memref<1x200xi32, #tpu.memory_space<hbm>> -> memref<200xi32, #tpu.memory_space<hbm>>
        tpu.wait_dma2 semaphore(%arg15 : memref<!tpu.dma_semaphore, #tpu.memory_space<semaphore_mem>>) src(%dma_wait3A_292 : memref<200xi32, #tpu.memory_space<hbm>>) dst(%arg7 : memref<200xi32, #tpu.memory_space<vmem>>)
        %dma_start3A_293 = arith.constant 0 : i32
        %dma_start3A_294 = arith.constant 0 : i32
        %dma_start3A_295 = tpu.memref_slice %arg3[%dma_start3A_293, %dma_start3A_294] : memref<2000000x64xf32, #tpu.memory_space<hbm>> -> memref<2000000x64xf32, #tpu.memory_space<hbm>>
        tpu.enqueue_indirect_dma source(%dma_start3A_295 : memref<2000000x64xf32, #tpu.memory_space<hbm>>) target(%arg11 : memref<200x64xf32, #tpu.memory_space<vmem>>) offsets(%arg7 : memref<200xi32, #tpu.memory_space<vmem>>) semaphore(%arg19 : memref<!tpu.dma_semaphore, #tpu.memory_space<semaphore_mem>>)
        %mul3A_296 = arith.constant 4 : i32
        %mul3A_297 = arith.muli %mul3A_296, %scan3A_137 : i32
        %add3A_298 = arith.addi %mul3A_2, %mul3A_297 : i32
        %add3A_299 = arith.constant 3 : i32
        %add3A_300 = arith.addi %add3A_298, %add3A_299 : i32
        %dma_wait3A_301 = arith.constant 0 : i32
        %dma_wait3A_302 = arith.constant 0 : i32
        %dma_wait3A_303 = tpu.memref_slice %arg4[%add3A_300, %dma_wait3A_301, %dma_wait3A_302] : memref<4096x200x128xf32, #tpu.memory_space<hbm>> -> memref<1x200x64xf32, #tpu.memory_space<hbm>>
        %dma_wait3A_304 = tpu.memref_squeeze %dma_wait3A_303 : memref<1x200x64xf32, #tpu.memory_space<hbm>> -> memref<200x64xf32, #tpu.memory_space<hbm>>
        %dma_wait3A_305 = arith.constant 0 : i32
        %dma_wait3A_306 = arith.constant 0 : i32
        %dma_wait3A_307 = tpu.memref_slice %arg4[%add3A_300, %dma_wait3A_305, %dma_wait3A_306] : memref<4096x200x128xf32, #tpu.memory_space<hbm>> -> memref<1x200x64xf32, #tpu.memory_space<hbm>>
        %dma_wait3A_308 = tpu.memref_squeeze %dma_wait3A_307 : memref<1x200x64xf32, #tpu.memory_space<hbm>> -> memref<200x64xf32, #tpu.memory_space<hbm>>
        tpu.wait_dma2 semaphore(%arg24 : memref<!tpu.dma_semaphore, #tpu.memory_space<semaphore_mem>>) src(%arg12 : memref<200x64xf32, #tpu.memory_space<vmem>>) dst(%dma_wait3A_308 : memref<200x64xf32, #tpu.memory_space<hbm>>)
        %add3A_309 = arith.constant 4 : i32
        %add3A_310 = arith.addi %add3A_300, %add3A_309 : i32
        %dma_wait3A_311 = arith.constant 0 : i32
        %dma_wait3A_312 = tpu.memref_slice %arg2[%add3A_310, %dma_wait3A_311] : memref<4096x200xi32, #tpu.memory_space<hbm>> -> memref<1x200xi32, #tpu.memory_space<hbm>>
        %dma_wait3A_313 = tpu.memref_squeeze %dma_wait3A_312 : memref<1x200xi32, #tpu.memory_space<hbm>> -> memref<200xi32, #tpu.memory_space<hbm>>
        %dma_wait3A_314 = arith.constant 0 : i32
        %dma_wait3A_315 = tpu.memref_slice %arg2[%add3A_310, %dma_wait3A_314] : memref<4096x200xi32, #tpu.memory_space<hbm>> -> memref<1x200xi32, #tpu.memory_space<hbm>>
        %dma_wait3A_316 = tpu.memref_squeeze %dma_wait3A_315 : memref<1x200xi32, #tpu.memory_space<hbm>> -> memref<200xi32, #tpu.memory_space<hbm>>
        tpu.wait_dma2 semaphore(%arg16 : memref<!tpu.dma_semaphore, #tpu.memory_space<semaphore_mem>>) src(%dma_wait3A_316 : memref<200xi32, #tpu.memory_space<hbm>>) dst(%arg8 : memref<200xi32, #tpu.memory_space<vmem>>)
        %dma_start3A_317 = arith.constant 0 : i32
        %dma_start3A_318 = arith.constant 0 : i32
        %dma_start3A_319 = tpu.memref_slice %arg3[%dma_start3A_317, %dma_start3A_318] : memref<2000000x64xf32, #tpu.memory_space<hbm>> -> memref<2000000x64xf32, #tpu.memory_space<hbm>>
        tpu.enqueue_indirect_dma source(%dma_start3A_319 : memref<2000000x64xf32, #tpu.memory_space<hbm>>) target(%arg12 : memref<200x64xf32, #tpu.memory_space<vmem>>) offsets(%arg8 : memref<200xi32, #tpu.memory_space<vmem>>) semaphore(%arg20 : memref<!tpu.dma_semaphore, #tpu.memory_space<semaphore_mem>>)
      } else {
      }
    }
    %scan3A_81 = arith.constant 32 : i32
    %add3A_82 = arith.constant 128 : i32
    %add3A_83 = arith.addi %mul3A_2, %add3A_82 : i32
    %sub3A = arith.constant 4 : i32
    %sub3A_84 = arith.subi %add3A_83, %sub3A : i32
    %add3A_85 = arith.constant 0 : i32
    %add3A_86 = arith.addi %sub3A_84, %add3A_85 : i32
    %dma_wait3A_87 = arith.constant 0 : i32
    %dma_wait3A_88 = arith.constant 0 : i32
    %dma_wait3A_89 = tpu.memref_slice %arg4[%add3A_86, %dma_wait3A_87, %dma_wait3A_88] : memref<4096x200x128xf32, #tpu.memory_space<hbm>> -> memref<1x200x64xf32, #tpu.memory_space<hbm>>
    %dma_wait3A_90 = tpu.memref_squeeze %dma_wait3A_89 : memref<1x200x64xf32, #tpu.memory_space<hbm>> -> memref<200x64xf32, #tpu.memory_space<hbm>>
    %dma_wait3A_91 = arith.constant 0 : i32
    %dma_wait3A_92 = arith.constant 0 : i32
    %dma_wait3A_93 = tpu.memref_slice %arg4[%add3A_86, %dma_wait3A_91, %dma_wait3A_92] : memref<4096x200x128xf32, #tpu.memory_space<hbm>> -> memref<1x200x64xf32, #tpu.memory_space<hbm>>
    %dma_wait3A_94 = tpu.memref_squeeze %dma_wait3A_93 : memref<1x200x64xf32, #tpu.memory_space<hbm>> -> memref<200x64xf32, #tpu.memory_space<hbm>>
    tpu.wait_dma2 semaphore(%arg21 : memref<!tpu.dma_semaphore, #tpu.memory_space<semaphore_mem>>) src(%arg9 : memref<200x64xf32, #tpu.memory_space<vmem>>) dst(%dma_wait3A_94 : memref<200x64xf32, #tpu.memory_space<hbm>>)
    %add3A_95 = arith.constant 128 : i32
    %add3A_96 = arith.addi %mul3A_2, %add3A_95 : i32
    %sub3A_97 = arith.constant 4 : i32
    %sub3A_98 = arith.subi %add3A_96, %sub3A_97 : i32
    %add3A_99 = arith.constant 1 : i32
    %add3A_100 = arith.addi %sub3A_98, %add3A_99 : i32
    %dma_wait3A_101 = arith.constant 0 : i32
    %dma_wait3A_102 = arith.constant 0 : i32
    %dma_wait3A_103 = tpu.memref_slice %arg4[%add3A_100, %dma_wait3A_101, %dma_wait3A_102] : memref<4096x200x128xf32, #tpu.memory_space<hbm>> -> memref<1x200x64xf32, #tpu.memory_space<hbm>>
    %dma_wait3A_104 = tpu.memref_squeeze %dma_wait3A_103 : memref<1x200x64xf32, #tpu.memory_space<hbm>> -> memref<200x64xf32, #tpu.memory_space<hbm>>
    %dma_wait3A_105 = arith.constant 0 : i32
    %dma_wait3A_106 = arith.constant 0 : i32
    %dma_wait3A_107 = tpu.memref_slice %arg4[%add3A_100, %dma_wait3A_105, %dma_wait3A_106] : memref<4096x200x128xf32, #tpu.memory_space<hbm>> -> memref<1x200x64xf32, #tpu.memory_space<hbm>>
    %dma_wait3A_108 = tpu.memref_squeeze %dma_wait3A_107 : memref<1x200x64xf32, #tpu.memory_space<hbm>> -> memref<200x64xf32, #tpu.memory_space<hbm>>
    tpu.wait_dma2 semaphore(%arg22 : memref<!tpu.dma_semaphore, #tpu.memory_space<semaphore_mem>>) src(%arg10 : memref<200x64xf32, #tpu.memory_space<vmem>>) dst(%dma_wait3A_108 : memref<200x64xf32, #tpu.memory_space<hbm>>)
    %add3A_109 = arith.constant 128 : i32
    %add3A_110 = arith.addi %mul3A_2, %add3A_109 : i32
    %sub3A_111 = arith.constant 4 : i32
    %sub3A_112 = arith.subi %add3A_110, %sub3A_111 : i32
    %add3A_113 = arith.constant 2 : i32
    %add3A_114 = arith.addi %sub3A_112, %add3A_113 : i32
    %dma_wait3A_115 = arith.constant 0 : i32
    %dma_wait3A_116 = arith.constant 0 : i32
    %dma_wait3A_117 = tpu.memref_slice %arg4[%add3A_114, %dma_wait3A_115, %dma_wait3A_116] : memref<4096x200x128xf32, #tpu.memory_space<hbm>> -> memref<1x200x64xf32, #tpu.memory_space<hbm>>
    %dma_wait3A_118 = tpu.memref_squeeze %dma_wait3A_117 : memref<1x200x64xf32, #tpu.memory_space<hbm>> -> memref<200x64xf32, #tpu.memory_space<hbm>>
    %dma_wait3A_119 = arith.constant 0 : i32
    %dma_wait3A_120 = arith.constant 0 : i32
    %dma_wait3A_121 = tpu.memref_slice %arg4[%add3A_114, %dma_wait3A_119, %dma_wait3A_120] : memref<4096x200x128xf32, #tpu.memory_space<hbm>> -> memref<1x200x64xf32, #tpu.memory_space<hbm>>
    %dma_wait3A_122 = tpu.memref_squeeze %dma_wait3A_121 : memref<1x200x64xf32, #tpu.memory_space<hbm>> -> memref<200x64xf32, #tpu.memory_space<hbm>>
    tpu.wait_dma2 semaphore(%arg23 : memref<!tpu.dma_semaphore, #tpu.memory_space<semaphore_mem>>) src(%arg11 : memref<200x64xf32, #tpu.memory_space<vmem>>) dst(%dma_wait3A_122 : memref<200x64xf32, #tpu.memory_space<hbm>>)
    %add3A_123 = arith.constant 128 : i32
    %add3A_124 = arith.addi %mul3A_2, %add3A_123 : i32
    %sub3A_125 = arith.constant 4 : i32
    %sub3A_126 = arith.subi %add3A_124, %sub3A_125 : i32
    %add3A_127 = arith.constant 3 : i32
    %add3A_128 = arith.addi %sub3A_126, %add3A_127 : i32
    %dma_wait3A_129 = arith.constant 0 : i32
    %dma_wait3A_130 = arith.constant 0 : i32
    %dma_wait3A_131 = tpu.memref_slice %arg4[%add3A_128, %dma_wait3A_129, %dma_wait3A_130] : memref<4096x200x128xf32, #tpu.memory_space<hbm>> -> memref<1x200x64xf32, #tpu.memory_space<hbm>>
    %dma_wait3A_132 = tpu.memref_squeeze %dma_wait3A_131 : memref<1x200x64xf32, #tpu.memory_space<hbm>> -> memref<200x64xf32, #tpu.memory_space<hbm>>
    %dma_wait3A_133 = arith.constant 0 : i32
    %dma_wait3A_134 = arith.constant 0 : i32
    %dma_wait3A_135 = tpu.memref_slice %arg4[%add3A_128, %dma_wait3A_133, %dma_wait3A_134] : memref<4096x200x128xf32, #tpu.memory_space<hbm>> -> memref<1x200x64xf32, #tpu.memory_space<hbm>>
    %dma_wait3A_136 = tpu.memref_squeeze %dma_wait3A_135 : memref<1x200x64xf32, #tpu.memory_space<hbm>> -> memref<200x64xf32, #tpu.memory_space<hbm>>
    tpu.wait_dma2 semaphore(%arg24 : memref<!tpu.dma_semaphore, #tpu.memory_space<semaphore_mem>>) src(%arg12 : memref<200x64xf32, #tpu.memory_space<vmem>>) dst(%dma_wait3A_136 : memref<200x64xf32, #tpu.memory_space<hbm>>)
    return
  }
}

</mosaic_0001>

<sc_bundles>
// kernel: kernel.3.cloned.1.call-start
scs
__scs_entry_jumppad:
0x0: {  	(pc) =	sbr.rel $0x88, $3  }
0x1: {  	(tag) =	ssettag $0x0;
	lr =	simm.s32 $0x1  }
0x2: {  	[smem:$0x3F9F] =	sst lr;
	_ =	strace $0xD0000000  }
0x3: {  	_ = 	snop  }
0x4: {  	_ = 	snop  }
0x5: {  	_ = 	snop  }
0x6: {  	_ = 	snop  }
0x7: {  	_ = 	snop  }
__scs_overlays_trampoline_lowered:
0x8: {  	[smem:$0x3FAE] =	sst s0  }
0x9: {  	[smem:$0x3FAF] =	sst s1  }
0xa: {  	[smem:$0x3FB0] =	sst s2  }
0xb: {  	[smem:$0x3FB1] =	sst s3  }
0xc: {  	[smem:$0x3FB2] =	sst s4  }
0xd: {  	[smem:$0x3FB3] =	sst s5  }
0xe: {  	[smem:$0x3FB4] =	sst s6  }
0xf: {  	[smem:$0x3FB5] =	sst s7  }
0x10: {  	[smem:$0x3FB6] =	sst s8  }
0x11: {  	[smem:$0x3FB7] =	sst s9;
	s0 =	simm.s32 @!p0 $0x0  }
0x12: {  	s1 =	sld [smem:$0x3F9D];
	s0 =	simm.s32 @p0 $0x1  }
0x13: {  	[smem:$0x3FB8] =	sst s0;
	s0 =	simm.s32 @!p1 $0x0  }
0x14: {  	s2 =	sld [smem:$0x3F9C];
	s0 =	simm.s32 @p1 $0x1  }
0x15: {  	[smem:$0x3FB9] =	sst s0;
	s0 =	simm.s32 @!p2 $0x0  }
0x16: {  	s3 =	sld [smem:$0x3FDB];
	s0 =	simm.s32 @p2 $0x1  }
0x17: {  	s4 =	simm.s32 $0x1BF5;
	[smem:$0x3FBB] =	sst s0  }
0x18: {  	s0 =	sld [smem:$0x3F9E];
	_ =	swait.ge [sflag:s4], $0x0  }
0x19: {  	s7 =	sld [smem:$0x3F9F]  }
0x1a: {  	s8 =	sadd.s32 $0xFFFFE003, lr  }
0x1b: {  	s9 =	sadd.s32 $0xFFFFFEF7, lr;
	s5 =	simm.s32 $0xFFFFFFFF;
	p2 =	slt.u32 s8, $0xFFFFF086  }
0x1c: {  	p1 =	slt.u32 s9, $0xF7A;
	s5 =	simm.s32 @!p2 $0x0  }
0x1d: {  	s5 =	simm.s32 @p1 $0x1;
	p0 =	seq.s32 s7, s2  }
0x1e: {  	s7 =	smul.u32 @!p0 $0xF7A, s2;
	p2 =	seq.s32 @!p0 s5, $0x0  }
0x1f: {  	s9 =	smul.u32 $0xF7A, s1;
	s8 =	simm.s32 @!p0 $0x1BF5;
	p2 =	por !p2, p0  }
0x20: {  	[sflag:s8] =	ssyncset.s32 @!p0 $0xFFFFF086;
	s6 =	sadd.s32 @!p0 s3, s7;
	s7 =	simm.s32 @!p0 $0x108  }
0x21: {  	s3 =	sadd.s32 s3, s9;
	s6 =	sadd.s32 @!p0 $0x88, s6;
	s7 =	simm.s32 @p2 $0x1082  }
0x22: {  	[simem:s7], [sflag:s8] =	dma.local @!p0 [hbm:s6], $0xF7A  }
0x23: {  	s9 =	sor.u32 $0xD0000000, s2;
	s6 =	simm.s32 $0x108;
	_ =	swait.ge @!p0 [sflag:s8], $0x0  }
0x24: {  	s3 =	sadd.s32 $0x88, s3;
	s6 =	simm.s32 @!p1 $0x1082;
	[sflag:s4] =	ssyncset.s32 $0xFFFFF086  }
0x25: {  	[simem:s6], [sflag:s4] =	dma.local [hbm:s3], $0xF7A  }
0x26: {  	[smem:$0x3F9F] =	sst s1;
	(tag) =	ssettag s2;
	_ =	strace s9  }
0x27: {  	s1 =	sld [smem:$0x3FAF]  }
0x28: {  	s2 =	sld [smem:$0x3FB0]  }
0x29: {  	s4 =	sld [smem:$0x3FB2]  }
0x2a: {  	p0 =	seq.s32 s5, $0x0;
	s5 =	sld [smem:$0x3FB3]  }
0x2b: {  	s6 =	sld [smem:$0x3FB4]  }
0x2c: {  	s7 =	sld [smem:$0x3FB5]  }
0x2d: {  	s3 =	simm.s32 $0x108;
	s8 =	sld [smem:$0x3FB6]  }
0x2e: {  	s3 =	simm.s32 @!p0 $0x1082;
	s9 =	sld [smem:$0x3FB7]  }
0x2f: {  	lr =	sadd.s32 s0, s3;
	s0 =	sld [smem:$0x3FAE]  }
0x30: {  	s3 =	sld [smem:$0x3FB1]  }
0x31: {  	[smem:$0x3FBA] =	sst s10  }
0x32: {  	s10 =	sld [smem:$0x3FB8];
	_ =	sdelay $0x3  }
0x33: {  	p0 =	seq.s32 s10, $0x1;
	s10 =	sld [smem:$0x3FBA];
	_ =	sdelay $0x3  }
0x34: {  	[smem:$0x3FBA] =	sst s10  }
0x35: {  	s10 =	sld [smem:$0x3FB9];
	_ =	sdelay $0x3  }
0x36: {  	p1 =	seq.s32 s10, $0x1;
	s10 =	sld [smem:$0x3FBA];
	_ =	sdelay $0x3  }
0x37: {  	[smem:$0x3FBA] =	sst s10  }
0x38: {  	s10 =	sld [smem:$0x3FBB]  }
0x39: {  	_ = 	snop;
	(pc) =	sbr.ind lr, $3  }
0x3a: {  	_ = 	snop  }
0x3b: {  	_ = 	snop  }
0x3c: {  	p2 =	seq.s32 s10, $0x1;
	s10 =	sld [smem:$0x3FBA]  }
0x3d: {  	_ =	shalt  }
0x3e: {  	_ =	shalt  }
0x3f: {  	_ =	shalt  }
0x40: {  	_ =	shalt  }
0x41: {  	_ =	shalt  }
0x42: {  	_ =	shalt  }
0x43: {  	_ =	shalt  }
0x44: {  	_ =	shalt  }
0x45: {  	_ =	shalt  }
0x46: {  	_ =	shalt  }
0x47: {  	_ =	shalt  }
0x48: {  	_ =	shalt  }
0x49: {  	_ =	shalt  }
0x4a: {  	_ =	shalt  }
0x4b: {  	_ =	shalt  }
0x4c: {  	_ =	shalt  }
0x4d: {  	_ =	shalt  }
0x4e: {  	_ =	shalt  }
0x4f: {  	_ =	shalt  }
0x50: {  	_ =	shalt  }
0x51: {  	_ =	shalt  }
0x52: {  	_ =	shalt  }
0x53: {  	_ =	shalt  }
0x54: {  	_ =	shalt  }
0x55: {  	_ =	shalt  }
0x56: {  	_ =	shalt  }
0x57: {  	_ =	shalt  }
0x58: {  	_ =	shalt  }
0x59: {  	_ =	shalt  }
0x5a: {  	_ =	shalt  }
0x5b: {  	_ =	shalt  }
0x5c: {  	_ =	shalt  }
0x5d: {  	_ =	shalt  }
0x5e: {  	_ =	shalt  }
0x5f: {  	_ =	shalt  }
0x60: {  	_ =	shalt  }
0x61: {  	_ =	shalt  }
0x62: {  	_ =	shalt  }
0x63: {  	_ =	shalt  }
0x64: {  	_ =	shalt  }
0x65: {  	_ =	shalt  }
0x66: {  	_ =	shalt  }
0x67: {  	_ =	shalt  }
0x68: {  	_ =	shalt  }
0x69: {  	_ =	shalt  }
0x6a: {  	_ =	shalt  }
0x6b: {  	_ =	shalt  }
0x6c: {  	_ =	shalt  }
0x6d: {  	_ =	shalt  }
0x6e: {  	_ =	shalt  }
0x6f: {  	_ =	shalt  }
0x70: {  	_ =	shalt  }
0x71: {  	_ =	shalt  }
0x72: {  	_ =	shalt  }
0x73: {  	_ =	shalt  }
0x74: {  	_ =	shalt  }
0x75: {  	_ =	shalt  }
0x76: {  	_ =	shalt  }
0x77: {  	_ =	shalt  }
0x78: {  	_ =	shalt  }
0x79: {  	_ =	shalt  }
0x7a: {  	_ =	shalt  }
0x7b: {  	_ =	shalt  }
0x7c: {  	_ =	shalt  }
0x7d: {  	_ =	shalt  }
0x7e: {  	_ =	shalt  }
0x7f: {  	_ =	shalt  }
0x80: {  	_ =	shalt  }
0x81: {  	_ =	shalt  }
0x82: {  	_ =	shalt  }
0x83: {  	_ =	shalt  }
0x84: {  	_ =	shalt  }
0x85: {  	_ =	shalt  }
0x86: {  	_ =	shalt  }
0x87: {  	_ =	shalt  }
.Lfunc_end0:
.L_simem_size_0:
called_computation.2_lowered:
.L_overlay_start_0:
0x88: {  	s2 =	sld [smem:$0x3FD9]  }
0x89: {  	s3 =	sld [smem:$0x3FFE];
	_ =	sdelay $0x1  }
0x8a: {  	s1 =	srdreg.scid  }
0x8b: {  	s0 =	sand.u32 $0x1, s1  }
0x8c: {  	s17 =	sshll.u32 s0, $0xA;
	s2 =	sadd.s32 s3, s2  }
0x8d: {  	s2 =	sadd.s32 s2, s17  }
0x8e: {  	[smem:$0x3FC6] =	sst s2  }
0x8f: {  	_ = 	snop  }
0x90: {  	s2 =	sld [smem:$0x3FD0];
	(tm) =	ssettm $0x1  }
0x91: {  	s18 =	sld [smem:$0x3FFB];
	_ =	sdelay $0x3  }
0x92: {  	_ =	strace s18  }
0x93: {  	s3 =	sld [smem:$0x3FFC];
	_ =	sdelay $0x3  }
0x94: {  	_ =	strace s3  }
0x95: {  	s3 =	sld [smem:$0x3FFD];
	_ =	sdelay $0x3  }
0x96: {  	_ =	strace s3  }
0x97: {  	_ =	strace $0x8FFFFFFF  }
0x98: {  	s19 =	sld [smem:$0x3FDB];
	_ =	sdelay $0x1  }
0x99: {  	s4 =	simm.s32 $_scs_section_size  }
0x9a: {  	s5 =	simm.s32 $_size__tile_overlayer_lowered;
	s6 =	simm.s32 $_tile_overlayer_lowered  }
0x9b: {  	s22 =	simm.s32 $0x1BFF;
	s21 =	sshll.u32 s6, $0x1;
	s3 =	sadd.s32 s4, s19  }
0x9c: {  	s7 =	simm.s32 $0x0;
	s20 =	sshll.u32 s5, $0x1;
	s5 =	sadd.s32 s21, s3  }
0x9d: {  	[timem:s7], [sflag:s22] =	dma.local [hbm:s5], s20  }
0x9e: {  	_ =	swait.ge [sflag:s22], s20  }
0x9f: {  	s4 =	ssub.s32 $0x0, s20;
	[sflag:s22] =	ssyncset.done $0x0  }
0xa0: {  	[sflag:s22] =	ssyncadd.s32 s4;
	_ =	sdelay $0x1  }
0xa1: {  	s23 =	simm.s32 $0x1B8B  }
0xa2: {  	_ =	swait.ge [sflag:s23], $0x1  }
0xa3: {  	[sflag:s23] =	ssyncset.done $0x0  }
0xa4: {  	s25 =	simm.s32 $0x1B8E;
	s24 =	sld [smem:$0x3FFE];
	[sflag:s23] =	ssyncadd.s32 $0xFFFFFFFF  }
0xa5: {  	s26 =	simm.s32 $execute0_lowered;
	[smem:$0x3FD2] =	sst s25  }
0xa6: {  	s5 =	sshll.u32 s26, $0x1;
	_ =	strace $0x80000049;
	[dreg:$0x1] =	wrdreg $0xFFFFFFFF  }
0xa7: {  	s28 =	simm.s32 $_size_execute0_lowered;
	s3 =	sadd.s32 s3, s5;
	[dreg:$0x0] =	wrdreg $0x0  }
0xa8: {  	s5 =	sshll.u32 s28, $0x1;
	[dreg:$0x2] =	wrdreg s3  }
0xa9: {  	[dreg:$0x3] =	wrdreg s5  }
0xaa: {  	[dreg:$0x4] =	wrdreg $0xC0  }
0xab: {  	_ =	task [dreg:s7], $0x5FFFF  }
0xac: {  	[dreg:$0x1] =	wrdreg $0xFFFFFFFF  }
0xad: {  	[dreg:$0x0] =	wrdreg $0x60  }
0xae: {  	[dreg:$0x2] =	wrdreg s2  }
0xaf: {  	[dreg:$0x3] =	wrdreg s24  }
0xb0: {  	[dreg:$0x4] =	wrdreg $0x9  }
0xb1: {  	_ =	task.clear_ibuf [dreg:s7], $0x5FFFF;
	_ =	strace $0x90000049  }
0xb2: {  	s29 =	simm.s32 $0x9;
	_ =	strace $0x8000004B  }
0xb3: {  	_ =	swait.ge [sflag:s29], $0x1  }
0xb4: {  	[sflag:s29] =	ssyncadd.s32 $0xFFFFFFFF  }
0xb5: {  	_ =	strace $0x9000004B  }
0xb6: {  	_ =	sfence  }
0xb7: {  	s30 =	sld [smem:$0x0];
	_ =	sdelay $0x2  }
0xb8: {  	s31 =	sshll.u32 s1, $0xD;
	s1 =	sshrl.u32 s1, $0x2  }
0xb9: {  	s3 =	sand.u32 $0x4000, s31;
	s1 =	sadd.s32 s1, s30  }
0xba: {  	s0 =	sor.u32 s3, s0;
	s1 =	sshll.u32 s1, $0x11  }
0xbb: {  	s0 =	sor.u32 s1, s0  }
0xbc: {  	s0 =	sadd.s32 $0x8F2B, s0  }
0xbd: {  	[sflag:s0] =	ssyncadd.remote.s32 $0x1  }
0xbe: {  	_ =	sfence.sel $0xFFFF  }
0xbf: {  	[dreg:$0x0] =	wrdreg $0xFFFFFFFF;
	(pc) =	sbr.abs _section_cstart, $3  }
0xc0: {  	[dreg:$0x1] =	wrdreg $0xFFFFFFFF  }
0xc1: {  	_ =	task.clear_ibuf [dreg:s7], $0x2FFFF;
	_ =	strace $0x9FFFFFFF  }
0xc2: {  	(tm) =	ssettm $0x7FFFFFFF  }
0xc3: {  	_ =	shalt  }
tec
execute0_lowered:
.L_overlay_start_1:
0x0: {  	(tag) =	ssettag $0x1  }
0x1: {  	s0 =	srdreg.scid;
	s1 =	rddreg [dreg:$0x0]  }
0x2: {  	s2 =	stileid.u32;
	s4 =	rddreg [dreg:$0x1];
	s6 =	simm.s32 $0x0  }
0x3: {  	s28 =	simm.s32 $0x9920;
	s29 =	simm.s32 $0x5;
	s30 =	simm.s32 $0x40  }
0x4: {  	s31 =	simm.s32 $0x80;
	s0 =	sand.u32 $0x1, s0;
	s7 =	smul.u32 $0xC800, s2  }
0x5: {  	s3 =	sshll.u32 s2, $0x8;
	[smem:$0x7FF] =	sst s6;
	s17 =	smul.u32 $0x640000, s2  }
0x6: {  	s25 =	smul.u32 $0xC8000, s2;
	s5 =	sshll.u32 s0, $0x7;
	_ =	strace $0x8000004A  }
0x7: {  	s11 =	ssub.s32 $0x2, s0;
	s9 =	smul.u32 $0x6400, s0;
	s3 =	sor.u32 s5, s3  }
0x8: {  	s8 =	sshrl.u32 s11, $0x1;
	s5 =	smul.u32 $0x19, s3;
	s3 =	sadd.s32 $0xF43200, s4  }
0x9: {  	s6 =	ssub.s32 s11, s8;
	s14 =	sadd.s32 s9, s7;
	s11 =	smul.u32 $0x320000, s0  }
0xa: {  	s4 =	sadd.s32 $0xE00, s4;
	s0 =	smul.u32 $0x64000, s0;
	s16 =	sadd.s32 $0x578, s14  }
0xb: {  	s10 =	sadd.s32 $0x4B0, s14;
	s6 =	smax.u32 s6, $0x1;
	s20 =	sor.u32 $0x3E8, s14  }
0xc: {  	s12 =	sadd.s32 s1, s5;
	s7 =	sshrl.u32 s16, $0x3;
	[dreg:$0x7] =	wrdreg s6  }
0xd: {  	s19 =	sshrl.u32 s10, $0x3;
	s21 =	sadd.s32 s11, s17;
	s6 =	sshrl.u32 s20, $0x3  }
0xe: {  	s17 =	simm.s32 $0xC8;
	s20 =	simm.s32 $0x1;
	s5 =	sadd.s32 $0x19, s12  }
0xf: {  	s13 =	sadd.s32 $0x32, s12;
	[dreg:$0x3] =	wrdreg s12;
	s15 =	sadd.s32 $0x4B, s12  }
0x10: {  	s18 =	sadd.s32 s7, s1;
	s10 =	sadd.s32 s19, s1;
	[dreg:$0x4] =	wrdreg s5  }
0x11: {  	s8 =	sor.u32 $0xC800, s21;
	s12 =	sor.u32 $0x12C00, s21;
	[dreg:$0x5] =	wrdreg s13  }
0x12: {  	s11 =	sadd.s32 s6, s1;
	s7 =	sor.u32 $0x6400, s21;
	[dreg:$0x6] =	wrdreg s15  }
0x13: {  	s19 =	simm.s32 $0x258;
	s21 =	simm.s32 $0x320;
	[dreg:$0x8] =	wrdreg s18  }
0x14: {  	s22 =	sshrl.u32 s8, $0x3;
	s23 =	sshrl.u32 s12, $0x3;
	s5 =	sor.u32 $0x320, s14  }
0x15: {  	s7 =	sshrl.u32 s7, $0x3;
	s8 =	simm.s32 $0xC;
	s6 =	sadd.s32 s22, s4  }
0x16: {  	s24 =	sadd.s32 s23, s4;
	s5 =	sshrl.u32 s5, $0x3;
	s26 =	sadd.s32 s7, s4  }
0x17: {  	s22 =	simm.s32 $0x2;
	s23 =	simm.s32 $0x3520;
	[dreg:$0x9] =	wrdreg s6  }
.Ltmp0:
0x18: {  	s7 =	simm.s32 $0xB;
	[dreg:$0xa] =	wrdreg s24;
	(pc) =	sbr.rel .LBB2_1-.Ltmp0, $4  }
0x19: {  	s6 =	sadd.s32 s25, s4;
	[dreg:$0xb] =	wrdreg s26;
	s15 =	sadd.s32 s5, s1  }
0x1a: {  	s24 =	simm.s32 $0x3;
	s26 =	simm.s32 $0x4;
	s1 =	simm.s32 $0x6  }
0x1b: {  	s5 =	simm.s32 $0x9;
	s4 =	simm.s32 $0x0;
	s0 =	sadd.s32 s0, s6  }
0x1c: {  	s6 =	simm.s32 $0xA;
	[dreg:$0xc] =	wrdreg s0;
	s0 =	simm.s32 $0x8  }
.LBB2_4:
0x1d: {  	_ =	swait.ge [sflag:s5], $0x3200  }
0x1e: {  	[sflag:s5] =	ssyncset.done $0x0  }
0x1f: {  	[sflag:s5] =	ssyncadd.s32 $0xFFFFCE00  }
0x20: {  	_ =	swait.ge [sflag:s6], $0x3200  }
0x21: {  	[sflag:s6] =	ssyncset.done $0x0  }
0x22: {  	[sflag:s6] =	ssyncadd.s32 $0xFFFFCE00  }
0x23: {  	_ =	swait.ge [sflag:s7], $0x3200  }
0x24: {  	[sflag:s7] =	ssyncset.done $0x0  }
0x25: {  	[sflag:s7] =	ssyncadd.s32 $0xFFFFCE00  }
0x26: {  	_ =	swait.ge [sflag:s8], $0x3200  }
0x27: {  	s4 =	rddreg [dreg:$0xd]  }
0x28: {  	s2 =	rddreg [dreg:$0x7];
	s4 =	sadd.s32 $0x1, s4  }
0x29: {  	p0 =	sne.s32 s4, s2  }
.Ltmp1:
0x2a: {  	_ = 	snop;
	(pc) =	sbr.rel @!p0 .LBB2_5-.Ltmp1, $3  }
0x2b: {  	_ =	sdelay $0x1  }
0x2c: {  	[sflag:s8] =	ssyncset.done $0x0  }
0x2d: {  	[sflag:s8] =	ssyncadd.s32 $0xFFFFCE00  }
.LBB2_1:
0x2e: {  	[dreg:$0xd] =	wrdreg s4  }
0x2f: {  	s2 =	simm.s32 $0x0;
	s13 =	rddreg [dreg:$0x3]  }
0x30: {  	[tilespmem:s2], [sflag:$0x1] =	stream.linear.gather [hbm4b:s13+s2], $0xC8, $0x38;
	[tilespmem:$0xCB20] =	vst v63  }
0x31: {  	s14 =	rddreg [dreg:$0x4]  }
0x32: {  	[tilespmem:s17], [sflag:$0x2] =	stream.linear.gather [hbm4b:s14+s2], $0xC8, $0x38;
	[tilespmem:$0xCB20] =	vst v63  }
0x33: {  	s16 =	rddreg [dreg:$0x5];
	s9 =	simm.s32 $0x190  }
0x34: {  	[tilespmem:s9], [sflag:$0x3] =	stream.linear.gather [hbm4b:s16+s2], $0xC8, $0x38;
	[tilespmem:$0xCB20] =	vst v63  }
0x35: {  	s18 =	rddreg [dreg:$0x6]  }
0x36: {  	[tilespmem:s19], [sflag:$0x4] =	stream.linear.gather [hbm4b:s18+s2], $0xC8, $0x38;
	[tilespmem:$0xCB20] =	vst v63  }
0x37: {  	_ =	swait.ge [sflag:s20], $0xC8  }
0x38: {  	[sflag:s20] =	ssyncset.done $0x0  }
0x39: {  	[sflag:s20] =	ssyncadd.s32 $0xFFFFFF38  }
0x3a: {  	[tilespmem:s21], [sflag:$0x5] =	stream.indirect.gather [hbm4b:s3+s17], $0x40, s2, s17, $0xb8;
	[tilespmem:$0xCB20] =	vst v63  }
0x3b: {  	_ =	swait.ge [sflag:s22], $0xC8  }
0x3c: {  	[sflag:s22] =	ssyncset.done $0x0  }
0x3d: {  	[sflag:s22] =	ssyncadd.s32 $0xFFFFFF38  }
0x3e: {  	[tilespmem:s23], [sflag:$0x6] =	stream.indirect.gather [hbm4b:s3+s17], $0x40, s17, s17, $0xb8;
	[tilespmem:$0xCB20] =	vst v63  }
0x3f: {  	_ =	swait.ge [sflag:s24], $0xC8  }
0x40: {  	[sflag:s24] =	ssyncset.done $0x0  }
0x41: {  	s25 =	simm.s32 $0x6720;
	[sflag:s24] =	ssyncadd.s32 $0xFFFFFF38  }
0x42: {  	[tilespmem:s25], [sflag:$0x7] =	stream.indirect.gather [hbm4b:s3+s17], $0x40, s9, s17, $0xb8;
	[tilespmem:$0xCB20] =	vst v63  }
0x43: {  	_ =	swait.ge [sflag:s26], $0xC8  }
0x44: {  	s16 =	rddreg [dreg:$0xc]  }
0x45: {  	s14 =	rddreg [dreg:$0xb]  }
0x46: {  	[sflag:s26] =	ssyncset.done $0x0;
	s13 =	rddreg [dreg:$0xa]  }
0x47: {  	s4 =	simm.s32 $0x0;
	s12 =	rddreg [dreg:$0x9];
	[sflag:s26] =	ssyncadd.s32 $0xFFFFFF38  }
0x48: {  	[tilespmem:s28], [sflag:$0x8] =	stream.indirect.gather [hbm4b:s3+s17], $0x40, s19, s17, $0xb8;
	[tilespmem:$0xCB20] =	vst v63  }
.LBB2_2:
0x49: {  	_ =	swait.ge [sflag:s29], $0x3200  }
0x4a: {  	[sflag:s29] =	ssyncset.done $0x0  }
0x4b: {  	p0 =	seq.s32 s4, $0xC1C;
	[sflag:s29] =	ssyncadd.s32 $0xFFFFCE00  }
0x4c: {  	[hbm4b:s16+s30] =	stream.strided.scatter [tilespmem:s21], [sflag:$0x9], $0x3200, s31, s30, $0x38;
	[tilespmem:$0xCB20] =	vst v63  }
0x4d: {  	s18 =	sadd.s32 @!p0 s4, s15;
	s25 =	simm.s32 @!p0 $0x0  }
0x4e: {  	[tilespmem:s25], [sflag:$0x1] =	stream.linear.gather @!p0 [hbm4b:s18+s25], $0xC8, $0x38;
	[tilespmem:$0xCB20] =	vst v63  }
0x4f: {  	_ =	swait.ge [sflag:s1], $0x3200  }
0x50: {  	[sflag:s1] =	ssyncset.done $0x0  }
0x51: {  	s18 =	simm.s32 @p0 $0x7;
	[sflag:s1] =	ssyncadd.s32 $0xFFFFCE00  }
0x52: {  	[hbm4b:s14+s30] =	stream.strided.scatter [tilespmem:s23], [sflag:$0xA], $0x3200, s31, s30, $0x38;
	[tilespmem:$0xCB20] =	vst v63  }
0x53: {  	_ =	swait.ge @p0 [sflag:s18], $0x3200  }
0x54: {  	s2 =	simm.s32 @p0 $0x80;
	[sflag:s18] =	ssyncset.done @p0 $0x0  }
0x55: {  	s9 =	simm.s32 @p0 $0x6720;
	[sflag:s18] =	ssyncadd.s32 @p0 $0xFFFFCE00;
	s18 =	simm.s32 @p0 $0x40  }
0x56: {  	[hbm4b:s12+s18] =	stream.strided.scatter @p0 [tilespmem:s9], [sflag:$0xB], $0x3200, s2, s18, $0x38;
	[tilespmem:$0xCB20] =	vst v63  }
0x57: {  	s2 =	sadd.s32 @!p0 s4, s11;
	s9 =	simm.s32 @!p0 $0xC8  }
0x58: {  	[tilespmem:s9], [sflag:$0x2] =	stream.linear.gather @!p0 [hbm4b:s2+s25], $0xC8, $0x38;
	[tilespmem:$0xCB20] =	vst v63  }
0x59: {  	s2 =	simm.s32 @!p0 $0x7  }
0x5a: {  	_ =	swait.ge @!p0 [sflag:s2], $0x3200  }
0x5b: {  	s18 =	simm.s32 @!p0 $0x6720;
	[sflag:s2] =	ssyncset.done @!p0 $0x0  }
0x5c: {  	s9 =	simm.s32 @!p0 $0x80;
	[sflag:s2] =	ssyncadd.s32 @!p0 $0xFFFFCE00;
	s2 =	simm.s32 @!p0 $0x40  }
0x5d: {  	[hbm4b:s12+s2] =	stream.strided.scatter @!p0 [tilespmem:s18], [sflag:$0xB], $0x3200, s9, s2, $0x38;
	[tilespmem:$0xCB20] =	vst v63  }
0x5e: {  	s2 =	sadd.s32 @!p0 s4, s10;
	s9 =	simm.s32 @!p0 $0x190  }
0x5f: {  	[tilespmem:s9], [sflag:$0x3] =	stream.linear.gather @!p0 [hbm4b:s2+s25], $0xC8, $0x38;
	[tilespmem:$0xCB20] =	vst v63  }
.Ltmp2:
0x60: {  	_ = 	snop;
	(pc) =	sbr.rel @p0 .LBB2_4-.Ltmp2, $4  }
0x61: {  	_ =	swait.ge [sflag:s0], $0x3200  }
0x62: {  	[sflag:s0] =	ssyncset.done $0x0  }
0x63: {  	[sflag:s0] =	ssyncadd.s32 $0xFFFFCE00  }
0x64: {  	[hbm4b:s13+s30] =	stream.strided.scatter [tilespmem:s28], [sflag:$0xC], $0x3200, s31, s30, $0x38;
	[tilespmem:$0xCB20] =	vst v63  }
0x65: {  	s2 =	rddreg [dreg:$0x8]  }
0x66: {  	s9 =	simm.s32 $0x0;
	s2 =	sadd.s32 s4, s2  }
0x67: {  	[tilespmem:s19], [sflag:$0x4] =	stream.linear.gather [hbm4b:s2+s9], $0xC8, $0x38;
	[tilespmem:$0xCB20] =	vst v63  }
0x68: {  	_ =	swait.ge [sflag:s5], $0x3200  }
0x69: {  	[sflag:s5] =	ssyncset.done $0x0  }
0x6a: {  	[sflag:s5] =	ssyncadd.s32 $0xFFFFCE00  }
0x6b: {  	_ =	swait.ge [sflag:s20], $0xC8  }
0x6c: {  	[sflag:s20] =	ssyncset.done $0x0  }
0x6d: {  	[sflag:s20] =	ssyncadd.s32 $0xFFFFFF38  }
0x6e: {  	[tilespmem:s21], [sflag:$0x5] =	stream.indirect.gather [hbm4b:s3+s17], $0x40, s9, s17, $0xb8;
	[tilespmem:$0xCB20] =	vst v63  }
0x6f: {  	_ =	swait.ge [sflag:s6], $0x3200  }
0x70: {  	[sflag:s6] =	ssyncset.done $0x0  }
0x71: {  	[sflag:s6] =	ssyncadd.s32 $0xFFFFCE00  }
0x72: {  	_ =	swait.ge [sflag:s22], $0xC8  }
0x73: {  	[sflag:s22] =	ssyncset.done $0x0  }
0x74: {  	[sflag:s22] =	ssyncadd.s32 $0xFFFFFF38  }
0x75: {  	[tilespmem:s23], [sflag:$0x6] =	stream.indirect.gather [hbm4b:s3+s17], $0x40, s17, s17, $0xb8;
	[tilespmem:$0xCB20] =	vst v63  }
0x76: {  	_ =	swait.ge [sflag:s7], $0x3200  }
0x77: {  	[sflag:s7] =	ssyncset.done $0x0  }
0x78: {  	[sflag:s7] =	ssyncadd.s32 $0xFFFFCE00  }
0x79: {  	_ =	swait.ge [sflag:s24], $0xC8  }
0x7a: {  	[sflag:s24] =	ssyncset.done $0x0  }
0x7b: {  	s18 =	simm.s32 $0x190;
	s25 =	simm.s32 $0x6720;
	[sflag:s24] =	ssyncadd.s32 $0xFFFFFF38  }
0x7c: {  	[tilespmem:s25], [sflag:$0x7] =	stream.indirect.gather [hbm4b:s3+s17], $0x40, s18, s17, $0xb8;
	[tilespmem:$0xCB20] =	vst v63  }
0x7d: {  	_ =	swait.ge [sflag:s8], $0x3200  }
0x7e: {  	[sflag:s8] =	ssyncset.done $0x0  }
.Ltmp3:
0x7f: {  	[sflag:s8] =	ssyncadd.s32 $0xFFFFCE00;
	(pc) =	sbr.rel .LBB2_2-.Ltmp3, $4  }
0x80: {  	s12 =	sadd.s32 $0x3200, s12;
	_ =	swait.ge [sflag:s26], $0xC8  }
0x81: {  	s13 =	sadd.s32 $0x3200, s13;
	s14 =	sadd.s32 $0x3200, s14;
	[sflag:s26] =	ssyncset.done $0x0  }
0x82: {  	s16 =	sadd.s32 $0x3200, s16;
	s4 =	sadd.s32 $0x64, s4;
	[sflag:s26] =	ssyncadd.s32 $0xFFFFFF38  }
0x83: {  	[tilespmem:s28], [sflag:$0x8] =	stream.indirect.gather [hbm4b:s3+s17], $0x40, s19, s17, $0xb8;
	[tilespmem:$0xCB20] =	vst v63  }
.LBB2_5:
0x84: {  	_ =	sfence.sel $0x180000  }
0x85: {  	[bflag:$0x0] =	sbarrier.arrive $0xFFFF  }
0x86: {  	_ =	strace $0x9000004A  }
0x87: {  	s0 =	stileid.u32;
	[bflag:$0x2] =	sbarrier.arrive $0xFFFF  }
0x88: {  	p0 =	sne.s32 s0, $0x0;
	s0 =	rddreg [dreg:$0x2]  }
0x89: {  	s0 =	sadd.s32 @!p0 $0x100000, s0  }
0x8a: {  	[sflag:s0] =	ssyncadd.tile.s32 @!p0 $0x1;
	_ =	shalt  }
.Lfunc_end2:
_tile_overlayer_lowered:
.L_overlay_start_2:
0x8b: {  	(tag) =	ssettag $0x2  }
0x8c: {  	s0 =	rddreg [dreg:$0x0];
	s2 =	stileid.u32  }
0x8d: {  	s1 =	rddreg [dreg:$0x1];
	p0 =	sne.s32 s2, $0x0  }
0x8e: {  	s3 =	rddreg [dreg:$0x2];
	[bflag:$0x3] =	sbarrier.arrive $0xFFFF;
	s2 =	simm.s32 @!p0 $0x1C0D  }
0x8f: {  	[timem:s3], [sflag:s2] =	dma.local @!p0 [hbm:s0], s1  }
0x90: {  	s0 =	simm.s32 @!p0 $0xD  }
0x91: {  	_ =	swait.ge @!p0 [sflag:s0], s1  }
0x92: {  	s1 =	ssub.s32 @!p0 $0x0, s1;
	[sflag:s0] =	ssyncset.done @!p0 $0x0  }
0x93: {  	[sflag:s0] =	ssyncadd.s32 @!p0 s1  }
0x94: {  	[bflag:$0x3] =	sbarrier.arrive $0xFFFF  }
0x95: {  	_ =	shalt  }

// kernel: sparse-core-data-format-call.1.cloned.1.call-start
scs
called_computation.1_lowered:
.L_overlay_start_0:
0x0: {  	s2 =	sld [smem:$0x3FD9]  }
0x1: {  	s3 =	sld [smem:$0x3FFE];
	_ =	sdelay $0x1  }
0x2: {  	s1 =	srdreg.scid  }
0x3: {  	s0 =	sand.u32 $0x1, s1  }
0x4: {  	s18 =	sshll.u32 s0, $0xA;
	s2 =	sadd.s32 s3, s2  }
0x5: {  	s2 =	sadd.s32 s2, s18  }
0x6: {  	[smem:$0x3FC6] =	sst s2  }
0x7: {  	_ = 	snop  }
0x8: {  	s2 =	sld [smem:$0x3FC8];
	(tm) =	ssettm $0x1  }
0x9: {  	s19 =	sld [smem:$0x3FFB];
	_ =	sdelay $0x3  }
0xa: {  	_ =	strace s19  }
0xb: {  	s3 =	sld [smem:$0x3FFC];
	_ =	sdelay $0x3  }
0xc: {  	_ =	strace s3  }
0xd: {  	s3 =	sld [smem:$0x3FFD];
	_ =	sdelay $0x3  }
0xe: {  	_ =	strace s3  }
0xf: {  	_ =	strace $0x8FFFFFFF  }
0x10: {  	s20 =	sld [smem:$0x3FDB];
	_ =	sdelay $0x1  }
0x11: {  	s4 =	simm.s32 $_scs_section_size  }
0x12: {  	s5 =	simm.s32 $_size__tile_overlayer_lowered;
	s6 =	simm.s32 $_tile_overlayer_lowered  }
0x13: {  	s23 =	simm.s32 $0x1BFF;
	s22 =	sshll.u32 s6, $0x1;
	s3 =	sadd.s32 s4, s20  }
0x14: {  	s7 =	simm.s32 $0x0;
	s21 =	sshll.u32 s5, $0x1;
	s5 =	sadd.s32 s22, s3  }
0x15: {  	[timem:s7], [sflag:s23] =	dma.local [hbm:s5], s21  }
0x16: {  	_ =	swait.ge [sflag:s23], s21  }
0x17: {  	s4 =	ssub.s32 $0x0, s21;
	[sflag:s23] =	ssyncset.done $0x0  }
0x18: {  	[sflag:s23] =	ssyncadd.s32 s4;
	_ =	sdelay $0x1  }
0x19: {  	s24 =	simm.s32 $0x1B8B  }
0x1a: {  	_ =	swait.ge [sflag:s24], $0x1  }
0x1b: {  	[sflag:s24] =	ssyncset.done $0x0  }
0x1c: {  	s26 =	simm.s32 $0x1B8E;
	s25 =	sld [smem:$0x3FFE];
	[sflag:s24] =	ssyncadd.s32 $0xFFFFFFFF  }
0x1d: {  	s27 =	simm.s32 $execute0_lowered;
	[smem:$0x3FD2] =	sst s26  }
0x1e: {  	s5 =	sshll.u32 s27, $0x1;
	_ =	strace $0x80000046;
	[dreg:$0x1] =	wrdreg $0xFFFFFFFF  }
0x1f: {  	s28 =	simm.s32 $_size_execute0_lowered;
	s3 =	sadd.s32 s3, s5;
	[dreg:$0x0] =	wrdreg $0x0  }
0x20: {  	s5 =	sshll.u32 s28, $0x1;
	[dreg:$0x2] =	wrdreg s3  }
0x21: {  	[dreg:$0x3] =	wrdreg s5  }
0x22: {  	[dreg:$0x4] =	wrdreg $0xC0  }
0x23: {  	_ =	task [dreg:s7], $0x5FFFF  }
0x24: {  	[dreg:$0x1] =	wrdreg $0xFFFFFFFF  }
0x25: {  	[dreg:$0x0] =	wrdreg $0x60  }
0x26: {  	[dreg:$0x2] =	wrdreg s2  }
0x27: {  	[dreg:$0x3] =	wrdreg s25  }
0x28: {  	[dreg:$0x4] =	wrdreg $0x9  }
0x29: {  	_ =	task.clear_ibuf [dreg:s7], $0x5FFFF;
	_ =	strace $0x90000046  }
0x2a: {  	s29 =	simm.s32 $0x9;
	_ =	strace $0x80000048  }
0x2b: {  	_ =	swait.ge [sflag:s29], $0x1  }
0x2c: {  	[sflag:s29] =	ssyncadd.s32 $0xFFFFFFFF  }
0x2d: {  	_ =	strace $0x90000048  }
0x2e: {  	_ =	sfence  }
0x2f: {  	s30 =	sld [smem:$0x0];
	_ =	sdelay $0x2  }
0x30: {  	s31 =	sshll.u32 s1, $0xD;
	s1 =	sshrl.u32 s1, $0x2  }
0x31: {  	s3 =	sand.u32 $0x4000, s31;
	s1 =	sadd.s32 s1, s30  }
0x32: {  	s0 =	sor.u32 s3, s0;
	s1 =	sshll.u32 s1, $0x11  }
0x33: {  	s0 =	sor.u32 s1, s0  }
0x34: {  	s0 =	sadd.s32 $0x8F2B, s0  }
0x35: {  	[sflag:s0] =	ssyncadd.remote.s32 $0x1  }
0x36: {  	_ =	sfence.sel $0xFFFF  }
0x37: {  	[dreg:$0x0] =	wrdreg $0xFFFFFFFF;
	(pc) =	sbr.abs _section_cstart, $3  }
0x38: {  	[dreg:$0x1] =	wrdreg $0xFFFFFFFF  }
0x39: {  	_ =	task.clear_ibuf [dreg:s7], $0x2FFFF;
	_ =	strace $0x9FFFFFFF  }
0x3a: {  	(tm) =	ssettm $0x7FFFFFFF  }
0x3b: {  	_ =	shalt  }
tec
execute0_lowered:
.L_overlay_start_1:
0x0: {  	(tag) =	ssettag $0x1  }
0x1: {  	s0 =	srdreg.scid;
	s2 =	rddreg [dreg:$0x0]  }
0x2: {  	s5 =	rddreg [dreg:$0x1];
	s1 =	stileid.u32  }
0x3: {  	s4 =	simm.s32 $0x1;
	s6 =	simm.s32 $0x2;
	s15 =	simm.s32 $0x0  }
0x4: {  	p0 =	por $0x0, $0x0;
	s8 =	simm.s32 $0x80;
	s0 =	sshll.u32 s0, $0x4  }
0x5: {  	s14 =	simm.s32 $0x0;
	s9 =	simm.s32 $0x0;
	s3 =	sand.u32 $0x10, s0  }
.Ltmp0:
0x6: {  	s10 =	simm.s32 $0x0;
	s3 =	sor.u32 s1, s3;
	(pc) =	sbr.rel .LBB1_1-.Ltmp0, $4  }
0x7: {  	s0 =	rddreg [dreg:$0x2];
	_ =	strace $0x80000047;
	s3 =	sshll.u32 s3, $0x7  }
0x8: {  	s12 =	simm.s32 $0x0;
	[sflag:s4] =	ssyncpa.u1 $0x0;
	s7 =	ssub.s32 $0xF4200, s3  }
0x9: {  	s13 =	simm.s32 $0x0;
	[sflag:s6] =	ssyncpa.u1 $0x0;
	s6 =	sshrl.u32 s7, $0xC  }
0xa: {  	s5 =	sadd.s32 $0xE00, s5;
	s11 =	smov.u32 s3;
	s7 =	sadd.s32 $0x2, s6  }
.LBB1_5:
0xb: {  	p1 =	slt.u32 s13, $0x2  }
0xc: {  	s17 =	smov.u32 s15;
	p2 =	sgt.s32 @!p1 s15, $0xF41C0;
	s16 =	sshra.s32 @!p1 s15, $0x1F  }
0xd: {  	p3 =	sgt.s32 @!p1 s14, $0x40;
	s18 =	sshra.s32 @!p1 s14, $0x1F;
	p2 =	por !p2, p1  }
0xe: {  	s15 =	sand.u32 @!p1 s16, s15;
	p3 =	por !p3, p1;
	s16 =	smov.u32 s14  }
0xf: {  	s14 =	sand.u32 @!p1 s18, s14;
	s17 =	simm.s32 @p2 $0xF41C0;
	s16 =	simm.s32 @p3 $0x40  }
0x10: {  	s15 =	ssub.s32 @!p1 s17, s15;
	s14 =	ssub.s32 @!p1 s16, s14  }
0x11: {  	s18 =	smov.u32 s12;
	s16 =	sadd.s32 @!p1 $0xFFF0BE40, s15;
	s17 =	sadd.s32 @!p1 $0xFFFFFFC0, s14  }
0x12: {  	s15 =	ssub.s32 @!p1 $0xF4240, s15;
	p2 =	sgt.s32 @!p1 s16, $0x7F;
	p3 =	sgt.s32 @!p1 s17, $0x3F  }
0x13: {  	s14 =	ssub.s32 @!p1 $0x80, s14;
	p2 =	por !p2, p1;
	p3 =	por !p3, p1  }
0x14: {  	s16 =	sadd.s32 $0x1000, s11;
	s15 =	simm.s32 @!p2 $0x0;
	s14 =	simm.s32 @!p3 $0x0  }
0x15: {  	p2 =	sgt.s32 s16, $0xF423F;
	s14 =	smul.u32 @!p1 s14, s15;
	s15 =	sadd.s32 $0x40, s12  }
0x16: {  	s18 =	smov.u32 @p2 s15  }
0x17: {  	s16 =	smov.u32 @p2 s3;
	p2 =	sgt.s32 s18, $0x3F  }
0x18: {  	s18 =	simm.s32 @p2 $0x0;
	p2 =	sne.s32 s13, s7  }
.Ltmp1:
0x19: {  	p0 =	por !p0, !p0;
	s17 =	simm.s32 @!p1 $0x2;
	(pc) =	sbr.rel @!p2 .LBB1_6-.Ltmp1, $4  }
0x1a: {  	s15 =	smov.u32 s9;
	s9 =	smov.u32 s11;
	s14 =	sand.u32 @!p1 $0x3FFFFFFF, s14  }
0x1b: {  	s11 =	smov.u32 s16;
	_ =	swait.ge @!p1 [sflag:s17], s14;
	s19 =	ssub.s32 @!p1 $0x0, s14  }
0x1c: {  	s14 =	smov.u32 s10;
	s13 =	sadd.s32 $0x1, s13;
	[sflag:s17] =	ssyncset.done @!p1 $0x0  }
0x1d: {  	s10 =	smov.u32 s12;
	s12 =	smov.u32 s18;
	[sflag:s17] =	ssyncadd.s32 @!p1 s19  }
.LBB1_1:
0x1e: {  	p1 =	sgt.u32 s13, s6  }
0x1f: {  	s16 =	sshrl.u32 @!p1 s12, $0x3  }
0x20: {  	s17 =	sshll.u32 @!p1 s11, $0x3;
	s16 =	smul.u32 @!p1 $0x7A1400, s16  }
0x21: {  	s18 =	sshll.u32 @!p1 s12, $0x7;
	s17 =	sand.u32 @!p1 $0xFFFFFC00, s17  }
0x22: {  	s16 =	sadd.s32 @!p1 s16, s17;
	s17 =	sand.u32 @!p1 $0x380, s18  }
0x23: {  	s18 =	sand.u32 @!p1 $0x7F, s11;
	s16 =	sor.u32 @!p1 s17, s16  }
0x24: {  	s17 =	sor.u32 @!p1 s18, s16  }
0x25: {  	s18 =	smulhi.u32 @!p1 $0x218D6287, s17;
	_ =	sdelay $0x1  }
0x26: {  	s16 =	smulhi.u32 @!p1 $0x218D6287, s16;
	s18 =	sshrl.u32 @!p1 s18, $0x11  }
0x27: {  	s18 =	smul.u32 @!p1 $0xF4280, s18  }
0x28: {  	s19 =	sxor.u32 @!p1 $0xFFFFFFFF, s13;
	s16 =	sshrl.u32 @!p1 s16, $0x11  }
0x29: {  	s19 =	sshll.u32 @!p1 s19, $0xD;
	s16 =	sand.u32 @!p1 $0x3F, s16;
	s17 =	ssub.s32 @!p1 s17, s18  }
0x2a: {  	s16 =	smul.u32 @!p1 $0x1E850, s16;
	s18 =	sshrl.u32 @!p1 s17, $0x3;
	s17 =	sand.u32 @!p1 $0x7, s17  }
0x2b: {  	s19 =	sand.u32 @!p1 $0x2000, s19;
	s18 =	sadd.s32 @!p1 s2, s18;
	s17 =	sshll.u32 @!p1 s17, $0x12  }
0x2c: {  	s16 =	sadd.s32 @!p1 s16, s18;
	s17 =	sor.u32 @!p1 $0x400, s17;
	s18 =	simm.s32 @!p1 $0x7A1400  }
0x2d: {  	[tilespmem:s19], [sflag:$0x1] =	stream.strided.gather @!p1 [hbm4b:s16+s17], $0x2000, s18, s17, $0x38;
	[tilespmem:$0x8100] =	vst v63  }
0x2e: {  	p1 =	seq.s32 s13, $0x0  }
0x2f: {  	p2 =	sge.u32 @!p1 s13, s7  }
0x30: {  	p1 =	por p1, p2  }
.Ltmp2:
0x31: {  	_ = 	snop;
	(pc) =	sbr.rel @p1 .LBB1_5-.Ltmp2, $1  }
0x32: {  	_ =	sdelay $0x3  }
0x33: {  	s16 =	simm.s32 $0x1  }
0x34: {  	_ =	swait.ge [sflag:s4], $0x2000;
	s16 =	simm.s32 @!p0 $0x0  }
0x35: {  	[sflag:s4] =	ssyncset.done $0x0;
	s17 =	sshll.u32 s16, $0xD  }
0x36: {  	[sflag:s4] =	ssyncadd.s32 $0xFFFFE000;
	s17 =	sor.u32 $0x40, s17  }
0x37: {  	s16 =	smul.u32 $0x8200, s16;
	v0 =	vld [tilespmem:s17+$0x30]  }
0x38: {  	v1 =	vld [tilespmem:s17+$0xFFFFFFD0]  }
0x39: {  	s16 =	sshrl.u32 s16, $0x2;
	v5 =	vld [tilespmem:s17+$0xFFFFFFE0]  }
0x3a: {  	v6 =	vld [tilespmem:s17+$0xFFFFFFF0];
	s19 =	sor.u32 $0x4000, s16  }
0x3b: {  	s31 =	sand.u32 $0x1, s13;
	v4 =	vld [tilespmem:s17+$0x0];
	s18 =	sadd.s32 $0x0, s19  }
0x3c: {  	v3 =	vld [tilespmem:s17+$0x10];
	s16 =	smul.u32 $0x8200, s31;
	[tilespmem:s18+$0x1C70 ss:$0x41] =	vst.msk $0xffff, v0  }
0x3d: {  	v2 =	vld [tilespmem:s17+$0x20];
	[tilespmem:s18+$0x410 ss:$0x41] =	vst.msk $0xffff, v1  }
0x3e: {  	s16 =	sshrl.u32 s16, $0x2;
	v1 =	vld [tilespmem:s17+$0xFFFFFFC0];
	[tilespmem:s18+$0x820 ss:$0x41] =	vst.msk $0xffff, v5;
	s17 =	sadd.s32 $0x80, s17  }
0x3f: {  	s20 =	simm.s32 $0x4;
	s21 =	simm.s32 $0x8;
	s16 =	sor.u32 $0x4000, s16;
	[tilespmem:s18+$0xC30 ss:$0x41] =	vst.msk $0xffff, v6;
	v0 =	vld [tilespmem:s17+$0x30]  }
.LBB1_3:
0x40: {  	p1 =	sne.s32 s21, $0xFC;
	v5 =	vld [tilespmem:s17+$0xFFFFFFD0];
	[tilespmem:s18+$0x1040 ss:$0x41] =	vst.msk $0xffff, v4  }
0x41: {  	v6 =	vld [tilespmem:s17+$0xFFFFFFE0];
	[tilespmem:s18+$0x1450 ss:$0x41] =	vst.msk $0xffff, v3  }
0x42: {  	s22 =	sshra.s32 s20, $0x2;
	s20 =	smov.u32 s21;
	v7 =	vld [tilespmem:s17+$0xFFFFFFF0];
	[tilespmem:s18+$0x1860 ss:$0x41] =	vst.msk $0xffff, v2  }
.Ltmp3:
0x43: {  	v4 =	vld [tilespmem:s17+$0x0];
	[tilespmem:s18+$0x0 ss:$0x41] =	vst.msk $0xffff, v1;
	s18 =	sadd.s32 s22, s19;
	(pc) =	sbr.rel @p1 .LBB1_3-.Ltmp3, $4  }
0x44: {  	v3 =	vld [tilespmem:s17+$0x10];
	[tilespmem:s18+$0x1C70 ss:$0x41] =	vst.msk $0xffff, v0  }
0x45: {  	[tilespmem:s18+$0x410 ss:$0x41] =	vst.msk $0xffff, v5;
	v2 =	vld [tilespmem:s17+$0x20]  }
0x46: {  	v1 =	vld [tilespmem:s17+$0xFFFFFFC0];
	[tilespmem:s18+$0x820 ss:$0x41] =	vst.msk $0xffff, v6;
	s17 =	sadd.s32 $0x80, s17  }
0x47: {  	s21 =	sadd.s32 $0x4, s21;
	v0 =	vld [tilespmem:s17+$0x30];
	[tilespmem:s18+$0xC30 ss:$0x41] =	vst.msk $0xffff, v7  }
0x48: {  	s21 =	sshll.u32 s9, $0x7;
	s22 =	sshll.u32 s10, $0x3;
	s20 =	sshra.s32 s20, $0x2  }
0x49: {  	p1 =	sgt.s32 s9, $0xF41C0;
	s30 =	sshra.s32 s9, $0x1F;
	s25 =	sshra.s32 s10, $0x1F  }
0x4a: {  	v5 =	vld [tilespmem:s17+$0xFFFFFFD0];
	s28 =	sshrl.u32 s10, $0x3;
	s23 =	sand.u32 $0xFFFFFC00, s21;
	s22 =	sand.u32 $0xFFFFFC00, s22  }
0x4b: {  	[tilespmem:s18+$0x1040 ss:$0x41] =	vst.msk $0xffff, v4;
	v58 =	vld [tilespmem:s17+$0xFFFFFFE0];
	s21 =	sand.u32 $0x380, s21;
	s19 =	sadd.s32 s20, s19;
	s22 =	sadd.s32 s22, s23  }
0x4c: {  	v59 =	vld [tilespmem:s17+$0xFFFFFFF0];
	[tilespmem:s18+$0x1450 ss:$0x41] =	vst.msk $0xffff, v3;
	s29 =	sor.u32 s21, s22;
	s21 =	smov.u32 s9;
	s22 =	sand.u32 s30, s9  }
0x4d: {  	v60 =	vld [tilespmem:s17+$0x0];
	[tilespmem:s18+$0x1860 ss:$0x41] =	vst.msk $0xffff, v2;
	s30 =	sand.u32 $0x7, s10;
	s20 =	sshrl.u32 s29, $0x7;
	s21 =	simm.s32 @!p1 $0xF41C0  }
0x4e: {  	v61 =	vld [tilespmem:s17+$0x10];
	[tilespmem:s18+$0x0 ss:$0x41] =	vst.msk $0xffff, v1;
	p1 =	sgt.s32 s10, $0x40;
	s24 =	ssub.s32 s21, s22;
	s21 =	smov.u32 s10  }
0x4f: {  	v62 =	vld [tilespmem:s17+$0x20];
	[tilespmem:s19+$0x1C70 ss:$0x41] =	vst.msk $0xffff, v0;
	s31 =	smulhi.u32 $0x218DEF5, s20;
	s22 =	sand.u32 s25, s10;
	s21 =	simm.s32 @!p1 $0x40  }
0x50: {  	v63 =	vld [tilespmem:s17+$0xFFFFFFC0];
	[tilespmem:s19+$0x410 ss:$0x41] =	vst.msk $0xffff, v5;
	s26 =	sadd.s32 $0xFFF0BE40, s24;
	s17 =	ssub.s32 $0xF4240, s24;
	s21 =	ssub.s32 s21, s22  }
0x51: {  	[tilespmem:s19+$0x820 ss:$0x41] =	vst.msk $0xffff, v58;
	s23 =	sshrl.u32 s31, $0xD;
	p1 =	sgt.s32 s26, $0x7F;
	s27 =	sadd.s32 $0xFFFFFFC0, s21  }
0x52: {  	[tilespmem:s19+$0xC30 ss:$0x41] =	vst.msk $0xffff, v59;
	s23 =	smul.u32 $0xF4240, s23;
	s18 =	ssub.s32 $0x80, s21;
	p2 =	sgt.s32 s27, $0x3F  }
.Ltmp4:
0x53: {  	[tilespmem:s19+$0x1040 ss:$0x41] =	vst.msk $0xffff, v60;
	s17 =	simm.s32 @p1 $0x0;
	s18 =	simm.s32 @p2 $0x0;
	(pc) =	sbr.rel .LBB1_5-.Ltmp4, $4  }
0x54: {  	s29 =	sand.u32 $0xF, s28;
	[tilespmem:s19+$0x1450 ss:$0x41] =	vst.msk $0xffff, v61;
	s20 =	ssub.s32 s20, s23;
	s17 =	smul.u32 s18, s17  }
0x55: {  	[tilespmem:s19+$0x1860 ss:$0x41] =	vst.msk $0xffff, v62;
	s21 =	sshll.u32 s30, $0x12;
	s20 =	sshll.u32 s20, $0x4;
	s18 =	sadd.s32 s5, s29  }
0x56: {  	[tilespmem:s19+$0x0 ss:$0x41] =	vst.msk $0xffff, v63;
	s31 =	sor.u32 $0x40, s21;
	s18 =	sadd.s32 s20, s18;
	s17 =	sand.u32 $0x3FFFFFFF, s17  }
0x57: {  	[hbm4b:s18+s31] =	stream.strided.scatter [tilespmem:s16], [sflag:$0x2], s17, s8, s31, $0x18;
	[tilespmem:$0x8100] =	vst v63  }
.LBB1_6:
0x58: {  	_ =	sfence.sel $0x180000  }
0x59: {  	s2 =	simm.s32 $0x1;
	[bflag:$0x0] =	sbarrier.arrive $0xFFFF  }
0x5a: {  	s31 =	simm.s32 $0x2;
	[sflag:s2] =	ssyncpa.u1 $0x1  }
0x5b: {  	[sflag:s31] =	ssyncpa.u1 $0x1  }
0x5c: {  	p0 =	sne.s32 s1, $0x0;
	_ =	strace $0x90000047  }
0x5d: {  	s0 =	sadd.s32 @!p0 $0x100000, s0;
	[bflag:$0x2] =	sbarrier.arrive $0xFFFF  }
0x5e: {  	[sflag:s0] =	ssyncadd.tile.s32 @!p0 $0x1;
	_ =	shalt  }
.Lfunc_end1:
_tile_overlayer_lowered:
.L_overlay_start_2:
0x5f: {  	(tag) =	ssettag $0x2  }
0x60: {  	s0 =	rddreg [dreg:$0x0];
	s2 =	stileid.u32  }
0x61: {  	s1 =	rddreg [dreg:$0x1];
	p0 =	sne.s32 s2, $0x0  }
0x62: {  	s3 =	rddreg [dreg:$0x2];
	[bflag:$0x3] =	sbarrier.arrive $0xFFFF;
	s2 =	simm.s32 @!p0 $0x1C01  }
0x63: {  	[timem:s3], [sflag:s2] =	dma.local @!p0 [hbm:s0], s1  }
0x64: {  	s0 =	simm.s32 @!p0 $0x1  }
0x65: {  	_ =	swait.ge @!p0 [sflag:s0], s1  }
0x66: {  	s1 =	ssub.s32 @!p0 $0x0, s1;
	[sflag:s0] =	ssyncset.done @!p0 $0x0  }
0x67: {  	[sflag:s0] =	ssyncadd.s32 @!p0 s1  }
0x68: {  	[bflag:$0x3] =	sbarrier.arrive $0xFFFF  }
0x69: {  	_ =	shalt  }

// kernel: sparse-core-data-format-call.cloned.1.call-start
scs
called_computation_lowered:
.L_overlay_start_0:
0x0: {  	s2 =	sld [smem:$0x3FD9]  }
0x1: {  	s3 =	sld [smem:$0x3FFE];
	_ =	sdelay $0x1  }
0x2: {  	s1 =	srdreg.scid  }
0x3: {  	s0 =	sand.u32 $0x1, s1  }
0x4: {  	s18 =	sshll.u32 s0, $0xA;
	s2 =	sadd.s32 s3, s2  }
0x5: {  	s2 =	sadd.s32 s2, s18  }
0x6: {  	[smem:$0x3FC6] =	sst s2  }
0x7: {  	_ = 	snop  }
0x8: {  	s2 =	sld [smem:$0x3FD0];
	(tm) =	ssettm $0x1  }
0x9: {  	s19 =	sld [smem:$0x3FFB];
	_ =	sdelay $0x3  }
0xa: {  	_ =	strace s19  }
0xb: {  	s3 =	sld [smem:$0x3FFC];
	_ =	sdelay $0x3  }
0xc: {  	_ =	strace s3  }
0xd: {  	s3 =	sld [smem:$0x3FFD];
	_ =	sdelay $0x3  }
0xe: {  	_ =	strace s3  }
0xf: {  	_ =	strace $0x8FFFFFFF  }
0x10: {  	s20 =	sld [smem:$0x3FDB];
	_ =	sdelay $0x1  }
0x11: {  	s4 =	simm.s32 $_scs_section_size  }
0x12: {  	s5 =	simm.s32 $_size__tile_overlayer_lowered;
	s6 =	simm.s32 $_tile_overlayer_lowered  }
0x13: {  	s23 =	simm.s32 $0x1BFF;
	s22 =	sshll.u32 s6, $0x1;
	s3 =	sadd.s32 s4, s20  }
0x14: {  	s7 =	simm.s32 $0x0;
	s21 =	sshll.u32 s5, $0x1;
	s5 =	sadd.s32 s22, s3  }
0x15: {  	[timem:s7], [sflag:s23] =	dma.local [hbm:s5], s21  }
0x16: {  	_ =	swait.ge [sflag:s23], s21  }
0x17: {  	s4 =	ssub.s32 $0x0, s21;
	[sflag:s23] =	ssyncset.done $0x0  }
0x18: {  	[sflag:s23] =	ssyncadd.s32 s4;
	_ =	sdelay $0x1  }
0x19: {  	s24 =	simm.s32 $0x1B8B  }
0x1a: {  	_ =	swait.ge [sflag:s24], $0x1  }
0x1b: {  	[sflag:s24] =	ssyncset.done $0x0  }
0x1c: {  	s26 =	simm.s32 $0x1B8E;
	s25 =	sld [smem:$0x3FFE];
	[sflag:s24] =	ssyncadd.s32 $0xFFFFFFFF  }
0x1d: {  	s27 =	simm.s32 $execute0_lowered;
	[smem:$0x3FD2] =	sst s26  }
0x1e: {  	s5 =	sshll.u32 s27, $0x1;
	_ =	strace $0x8000004C;
	[dreg:$0x1] =	wrdreg $0xFFFFFFFF  }
0x1f: {  	s28 =	simm.s32 $_size_execute0_lowered;
	s3 =	sadd.s32 s3, s5;
	[dreg:$0x0] =	wrdreg $0x0  }
0x20: {  	s5 =	sshll.u32 s28, $0x1;
	[dreg:$0x2] =	wrdreg s3  }
0x21: {  	[dreg:$0x3] =	wrdreg s5  }
0x22: {  	[dreg:$0x4] =	wrdreg $0xC0  }
0x23: {  	_ =	task [dreg:s7], $0x5FFFF  }
0x24: {  	[dreg:$0x1] =	wrdreg $0xFFFFFFFF  }
0x25: {  	[dreg:$0x0] =	wrdreg $0x60  }
0x26: {  	[dreg:$0x2] =	wrdreg s25  }
0x27: {  	[dreg:$0x3] =	wrdreg s2  }
0x28: {  	[dreg:$0x4] =	wrdreg $0x9  }
0x29: {  	_ =	task.clear_ibuf [dreg:s7], $0x5FFFF;
	_ =	strace $0x9000004C  }
0x2a: {  	s29 =	simm.s32 $0x9;
	_ =	strace $0x8000004E  }
0x2b: {  	_ =	swait.ge [sflag:s29], $0x1  }
0x2c: {  	[sflag:s29] =	ssyncadd.s32 $0xFFFFFFFF  }
0x2d: {  	_ =	strace $0x9000004E  }
0x2e: {  	_ =	sfence  }
0x2f: {  	s30 =	sld [smem:$0x0];
	_ =	sdelay $0x2  }
0x30: {  	s31 =	sshll.u32 s1, $0xD;
	s1 =	sshrl.u32 s1, $0x2  }
0x31: {  	s3 =	sand.u32 $0x4000, s31;
	s1 =	sadd.s32 s1, s30  }
0x32: {  	s0 =	sor.u32 s3, s0;
	s1 =	sshll.u32 s1, $0x11  }
0x33: {  	s0 =	sor.u32 s1, s0  }
0x34: {  	s0 =	sadd.s32 $0x8F2B, s0  }
0x35: {  	[sflag:s0] =	ssyncadd.remote.s32 $0x1  }
0x36: {  	_ =	sfence.sel $0xFFFF  }
0x37: {  	[dreg:$0x0] =	wrdreg $0xFFFFFFFF;
	(pc) =	sbr.abs _section_cstart, $3  }
0x38: {  	[dreg:$0x1] =	wrdreg $0xFFFFFFFF  }
0x39: {  	_ =	task.clear_ibuf [dreg:s7], $0x2FFFF;
	_ =	strace $0x9FFFFFFF  }
0x3a: {  	(tm) =	ssettm $0x7FFFFFFF  }
0x3b: {  	_ =	shalt  }
tec
execute0_lowered:
.L_overlay_start_1:
0x0: {  	(tag) =	ssettag $0x1  }
0x1: {  	s0 =	srdreg.scid  }
0x2: {  	s1 =	sshll.u32 s0, $0x4  }
0x3: {  	s0 =	stileid.u32;
	s1 =	sand.u32 $0x10, s1  }
0x4: {  	s1 =	sor.u32 s0, s1  }
0x5: {  	s6 =	rddreg [dreg:$0x0];
	s4 =	simm.s32 $0x1;
	s2 =	sshll.u32 s1, $0x7  }
0x6: {  	s7 =	simm.s32 $0x2;
	s12 =	simm.s32 $0x0;
	s1 =	ssub.s32 $0x1000, s2  }
0x7: {  	s8 =	simm.s32 $0x8000;
	s13 =	simm.s32 $0x0;
	s3 =	sand.u32 $0xF80, s1  }
0x8: {  	s9 =	simm.s32 $0x0;
	s5 =	sshrl.u32 s1, $0xC;
	p0 =	sne.s32 s3, $0x0  }
.Ltmp0:
0x9: {  	s1 =	rddreg [dreg:$0x2];
	s4 =	simm.s32 @!p0 $0x0;
	(pc) =	sbr.rel .LBB1_1-.Ltmp0, $4  }
0xa: {  	s11 =	simm.s32 $0x0;
	s3 =	rddreg [dreg:$0x1];
	s5 =	sadd.s32 s4, s5  }
0xb: {  	_ =	strace $0x8000004D;
	s4 =	simm.s32 $0x1;
	s5 =	smul.u32 $0xC8, s5  }
0xc: {  	s6 =	sadd.s32 $0xE00, s6;
	s10 =	smov.u32 s2;
	[sflag:s4] =	ssyncpa.u1 $0x0  }
0xd: {  	p0 =	por $0x0, $0x0;
	[sflag:s7] =	ssyncpa.u1 $0x0;
	s7 =	sor.u32 $0x1, s5  }
.LBB1_4:
0xe: {  	s16 =	sshll.u32 s13, $0x3;
	s17 =	sand.u32 $0x78, s13  }
0xf: {  	s30 =	sand.u32 $0x7E00, s13;
	s12 =	sshll.u32 s12, $0xF;
	s16 =	sand.u32 $0xC00, s16  }
0x10: {  	[tilespmem:s15+$0x810 ss:$0x81] =	vst.msk $0xffff, v2;
	s31 =	sand.u32 $0x7, s13;
	s16 =	sor.u32 s17, s16;
	s17 =	sadd.s32 s3, s30  }
0x11: {  	[tilespmem:s15+$0x1020 ss:$0x81] =	vst.msk $0xffff, v0;
	s13 =	sshll.u32 s31, $0x12;
	s12 =	sadd.s32 s12, s17;
	s16 =	sshrl.u32 s16, $0x3  }
0x12: {  	[tilespmem:s15+$0x0 ss:$0x81] =	vst.msk $0xffff, v1;
	s13 =	sor.u32 $0x400, s13;
	s12 =	sadd.s32 s16, s12  }
0x13: {  	[hbm4b:s12+s13] =	stream.strided.scatter [tilespmem:s14], [sflag:$0x2], $0x2000, s8, s13, $0x20;
	[tilespmem:$0x8080] =	vst v63  }
.LBB1_5:
0x14: {  	s14 =	sadd.s32 $0x1, s9  }
0x15: {  	s12 =	sadd.s32 $0x1000, s10;
	s16 =	smov.u32 s10;
	p2 =	sgt.s32 s14, $0xC7  }
0x16: {  	s16 =	smov.u32 @p2 s12  }
0x17: {  	s14 =	simm.s32 @p2 $0x0;
	p2 =	sgt.s32 s16, $0xFFF  }
0x18: {  	s16 =	smov.u32 @p2 s2;
	p2 =	sne.s32 s11, s7  }
.Ltmp1:
0x19: {  	p1 =	slt.u32 s11, $0x2;
	(pc) =	sbr.rel @!p2 .LBB1_6-.Ltmp1, $4  }
0x1a: {  	s15 =	simm.s32 @!p1 $0x2  }
0x1b: {  	s13 =	smov.u32 s10;
	p0 =	por !p0, !p0;
	_ =	swait.ge @!p1 [sflag:s15], $0x2000  }
0x1c: {  	s12 =	smov.u32 s9;
	[sflag:s15] =	ssyncset.done @!p1 $0x0;
	s9 =	smov.u32 s14  }
0x1d: {  	s11 =	sadd.s32 $0x1, s11;
	[sflag:s15] =	ssyncadd.s32 @!p1 $0xFFFFE000;
	s10 =	smov.u32 s16  }
.LBB1_1:
0x1e: {  	p1 =	sge.u32 s11, s5  }
0x1f: {  	s14 =	sand.u32 @!p1 $0x1FFFFFF, s9  }
0x20: {  	s15 =	smulhi.u32 @!p1 $0x147AE15, s14;
	_ =	sdelay $0x1  }
0x21: {  	s15 =	smul.u32 @!p1 $0xC8, s15  }
0x22: {  	s16 =	sxor.u32 @!p1 $0xFFFFFFFF, s11;
	s17 =	smul.u32 @!p1 $0xC80, s10  }
0x23: {  	s31 =	sadd.s32 $0xFFFFFFFF, s11;
	s16 =	sshll.u32 @!p1 s16, $0xD;
	s14 =	ssub.s32 @!p1 s14, s15  }
0x24: {  	s15 =	sand.u32 @!p1 $0x2000, s16;
	s16 =	sadd.s32 @!p1 s6, s17;
	s14 =	sshll.u32 @!p1 s14, $0x4  }
0x25: {  	s17 =	simm.s32 @!p1 $0x6400;
	s14 =	sadd.s32 @!p1 s14, s16;
	s16 =	simm.s32 @!p1 $0x40  }
0x26: {  	[tilespmem:s15], [sflag:$0x1] =	stream.strided.gather @!p1 [hbm4b:s14+s16], $0x2000, s17, s16, $0x38;
	[tilespmem:$0x8080] =	vst v63  }
0x27: {  	p1 =	sge.u32 s31, s5  }
.Ltmp2:
0x28: {  	_ = 	snop;
	(pc) =	sbr.rel @p1 .LBB1_5-.Ltmp2, $1  }
0x29: {  	_ =	sdelay $0x3  }
0x2a: {  	s14 =	simm.s32 $0x1  }
0x2b: {  	_ =	swait.ge [sflag:s4], $0x2000;
	s14 =	simm.s32 @!p0 $0x0  }
0x2c: {  	[sflag:s4] =	ssyncset.done $0x0;
	s15 =	sshll.u32 s14, $0xD  }
0x2d: {  	[sflag:s4] =	ssyncadd.s32 $0xFFFFE000;
	s18 =	sor.u32 $0x20, s15  }
0x2e: {  	s14 =	smul.u32 $0x8100, s14;
	v3 =	vld [tilespmem:s18+$0x10]  }
0x2f: {  	s30 =	sand.u32 $0x1, s11;
	v2 =	vld [tilespmem:s18+$0xFFFFFFF0]  }
0x30: {  	s15 =	smul.u32 $0x8100, s30;
	s14 =	sshrl.u32 s14, $0x2;
	v0 =	vld [tilespmem:s18+$0x0]  }
0x31: {  	v1 =	vld [tilespmem:s18+$0xFFFFFFE0];
	s16 =	sor.u32 $0x4000, s14  }
0x32: {  	s31 =	sshrl.u32 s15, $0x2;
	s15 =	sadd.s32 $0x0, s16  }
0x33: {  	s17 =	simm.s32 $0x4;
	s18 =	sadd.s32 $0x40, s18;
	s14 =	sor.u32 $0x4000, s31;
	[tilespmem:s15+$0x1830 ss:$0x81] =	vst.msk $0xffff, v3  }
.LBB1_3:
0x34: {  	v3 =	vld [tilespmem:s18+$0x10];
	p1 =	sne.s32 s17, $0x1FC;
	[tilespmem:s15+$0x810 ss:$0x81] =	vst.msk $0xffff, v2;
	s19 =	smov.u32 s17;
	s17 =	sadd.s32 $0x4, s17  }
.Ltmp3:
0x35: {  	v2 =	vld [tilespmem:s18+$0xFFFFFFF0];
	[tilespmem:s15+$0x1020 ss:$0x81] =	vst.msk $0xffff, v0;
	(pc) =	sbr.rel @p1 .LBB1_3-.Ltmp3, $4  }
0x36: {  	v0 =	vld [tilespmem:s18+$0x0];
	[tilespmem:s15+$0x0 ss:$0x81] =	vst.msk $0xffff, v1  }
0x37: {  	s15 =	sshra.s32 s19, $0x2;
	v1 =	vld [tilespmem:s18+$0xFFFFFFE0]  }
0x38: {  	s15 =	sadd.s32 s15, s16  }
0x39: {  	s18 =	sadd.s32 $0x40, s18;
	[tilespmem:s15+$0x1830 ss:$0x81] =	vst.msk $0xffff, v3  }
.Ltmp4:
0x3a: {  	_ = 	snop;
	(pc) =	sbr.rel .LBB1_4-.Ltmp4, $1  }
0x3b: {  	_ =	sdelay $0x3  }
.LBB1_6:
0x3c: {  	_ =	sfence.sel $0x180000  }
0x3d: {  	s2 =	simm.s32 $0x1;
	[bflag:$0x0] =	sbarrier.arrive $0xFFFF  }
0x3e: {  	s31 =	simm.s32 $0x2;
	[sflag:s2] =	ssyncpa.u1 $0x1  }
0x3f: {  	[sflag:s31] =	ssyncpa.u1 $0x1  }
0x40: {  	p0 =	sne.s32 s0, $0x0;
	_ =	strace $0x9000004D  }
0x41: {  	s0 =	sadd.s32 @!p0 $0x100000, s1;
	[bflag:$0x2] =	sbarrier.arrive $0xFFFF  }
0x42: {  	[sflag:s0] =	ssyncadd.tile.s32 @!p0 $0x1;
	_ =	shalt  }
.Lfunc_end1:
_tile_overlayer_lowered:
.L_overlay_start_2:
0x43: {  	(tag) =	ssettag $0x2  }
0x44: {  	s0 =	rddreg [dreg:$0x0];
	s2 =	stileid.u32  }
0x45: {  	s1 =	rddreg [dreg:$0x1];
	p0 =	sne.s32 s2, $0x0  }
0x46: {  	s3 =	rddreg [dreg:$0x2];
	[bflag:$0x3] =	sbarrier.arrive $0xFFFF;
	s2 =	simm.s32 @!p0 $0x1C01  }
0x47: {  	[timem:s3], [sflag:s2] =	dma.local @!p0 [hbm:s0], s1  }
0x48: {  	s0 =	simm.s32 @!p0 $0x1  }
0x49: {  	_ =	swait.ge @!p0 [sflag:s0], s1  }
0x4a: {  	s1 =	ssub.s32 @!p0 $0x0, s1;
	[sflag:s0] =	ssyncset.done @!p0 $0x0  }
0x4b: {  	[sflag:s0] =	ssyncadd.s32 @!p0 s1  }
0x4c: {  	[bflag:$0x3] =	sbarrier.arrive $0xFFFF  }
0x4d: {  	_ =	shalt  }

</sc_bundles>
